<compile_context>
chip_gen: v7x
topology: tpu7x:2x2x1
jax: 0.10.2.dev20260603
libtpu: 0.0.44.dev20260713+nightly
codegen_flags: <defaults>
</compile_context>

<pallas_src>
import functools

import jax
import jax.numpy as jnp
from jax import lax
from jax.experimental import pallas as pl
from jax.experimental.pallas import tpu as pltpu
from jax.experimental.pallas import tpu_sc as plsc

_B = 32
_N = 8732
_NP = 8736
_NC = _NP // 16
_NL = _N * 4
_NCL = _NL // 16
_NEGPOS = 3

_L1P = (
    0.0051860036,
    -0.029210268,
    0.07754038,
    -0.13583942,
    0.19055955,
    -0.24825649,
    0.3331601,
    -0.49999255,
    0.99999994,
)


def _log1p_exp_neg(ax):
    u = jnp.exp(-ax)
    q = jnp.full(u.shape, _L1P[0], jnp.float32)
    for c in _L1P[1:]:
        q = q * u + c
    return u * q


def _hist_select(hist_ref, nchunks, lane, t_count, k):
    lim = t_count - k
    big = jnp.full((16,), 0x7FFFFFFF, jnp.int32)

    @plsc.parallel_loop(
        0, nchunks * 16, 16, unroll=2,
        carry=(jnp.zeros((16,), jnp.int32), jnp.zeros((16,), jnp.int32),
               jnp.full((16,), 0x7FFFFFFF, jnp.int32), jnp.int32(0)),
    )
    def scan_carry(o, carry):
        jcnt, pe_max, pe_min, csum = carry
        cnt = hist_ref[pl.ds(o, 16)]
        cs = plsc.cumsum(cnt)
        prefix_excl = cs - cnt + csum
        flag = prefix_excl <= lim
        jcnt = jcnt + plsc.all_reduce_population_count(flag)
        pe_max = jnp.maximum(pe_max, jnp.where(flag, prefix_excl, 0))
        pe_min = jnp.minimum(pe_min, jnp.where(flag, big, prefix_excl))
        return jcnt, pe_max, pe_min, csum + cs[15]

    jcnt, pe_max, pe_min, total = scan_carry
    jstar = jcnt - 1
    pe_star = jnp.max(pe_max)
    pe_next = jnp.minimum(jnp.min(pe_min), total)
    return jstar, total - pe_next, pe_next - pe_star


def _zero_hist(hist_ref, nchunks):
    @plsc.parallel_loop(0, nchunks * 16, 16, unroll=4)
    def zero_loop(o):
        hist_ref[pl.ds(o, 16)] = jnp.zeros((16,), jnp.int32)


def _zero_histf(hist_ref, nchunks):
    @plsc.parallel_loop(0, nchunks * 16, 16, unroll=4)
    def zero_loop(o):
        hist_ref[pl.ds(o, 16)] = jnp.zeros((16,), jnp.float32)


def _sc_body(conf_hbm, ct_hbm, out_hbm,
             conf_v, ct_v, v_v, hist, histf, obuf,
             sem_c, sem_t):
    c_ax = lax.axis_index("c")
    s_ax = lax.axis_index("s")
    wid = s_ax * 2 + c_ax

    cp_c = pltpu.async_copy(conf_hbm.at[wid], conf_v, sem_c)
    cp_t = pltpu.async_copy(ct_hbm.at[wid], ct_v, sem_t)

    lane = jnp.arange(16, dtype=jnp.int32)
    _zero_hist(hist, 128)

    cp_c.wait()
    cp_t.wait()

    ones_i = jnp.full((16,), 1, jnp.int32)

    @plsc.parallel_loop(
        0, _NP, 16, unroll=4,
        carry=(jnp.zeros((16,), jnp.float32), jnp.zeros((16,), jnp.float32)),
    )
    def p1_carry(o, carry):
        npos_acc, bps_acc = carry
        x = conf_v[pl.ds(o, 16)]
        ct = ct_v[pl.ds(o, 16)]
        pos = ct > 0
        z = jnp.where(pos, 1.0, 0.0)
        bce = jnp.maximum(x, 0.0) - x * z + _log1p_exp_neg(jnp.abs(x))
        v = jnp.where(pos, 0.0, bce)
        v_v[pl.ds(o, 16)] = v
        vb = plsc.bitcast(v, jnp.int32)
        plsc.addupdate_scatter(hist, [vb >> 20], ones_i, mask=vb != 0)
        return npos_acc + z, bps_acc + bce * z

    npos_acc, bps_acc = p1_carry
    npos_f = jnp.sum(npos_acc)
    npos_i = npos_f.astype(jnp.int32)
    z0 = npos_i + (_NP - _N)
    h0 = hist[pl.ds(0, 16)]
    hist[pl.ds(0, 16)] = h0 + jnp.where(lane == 0, z0, 0)
    k = jnp.minimum(npos_i * _NEGPOS, _N)
    k0_vec = jnp.full((16,), 1, jnp.int32) * k
    k_vec = k0_vec

    t1 = jnp.full((16,), _NP, jnp.int32)
    b1, above1, h1 = _hist_select(hist, 128, lane, t1, k_vec)
    k_vec = k_vec - above1

    _zero_hist(hist, 64)

    @plsc.parallel_loop(
        0, _NP, 16, unroll=4, carry=jnp.zeros((16,), jnp.float32)
    )
    def p2_carry(o, sgt_acc):
        v = v_v[pl.ds(o, 16)]
        vb = plsc.bitcast(v, jnp.int32)
        bkt = vb >> 20
        m = (bkt == b1) & (vb != 0)
        plsc.addupdate_scatter(hist, [(vb >> 10) & 1023], ones_i, mask=m)
        return sgt_acc + jnp.where(bkt > b1, v, 0.0)

    sgt_acc = p2_carry
    h0 = hist[pl.ds(0, 16)]
    hist[pl.ds(0, 16)] = h0 + jnp.where((lane == 0) & (b1 == 0), z0, 0)
    t2 = jnp.full((16,), 1, jnp.int32) * h1
    b2, above2, h2 = _hist_select(hist, 64, lane, t2, k_vec)
    k_vec = k_vec - above2

    _zero_hist(hist, 64)
    _zero_histf(histf, 64)
    b12 = (b1 << 10) | b2
    hi21 = (b1 + 1) << 10

    @plsc.parallel_loop(
        0, _NP, 16, unroll=4, carry=sgt_acc
    )
    def p3_carry(o, sgt_acc):
        v = v_v[pl.ds(o, 16)]
        vb = plsc.bitcast(v, jnp.int32)
        p21 = vb >> 10
        m = (p21 == b12) & (vb != 0)
        plsc.addupdate_scatter(hist, [vb & 1023], ones_i, mask=m)
        plsc.addupdate_scatter(histf, [vb & 1023], v, mask=m)
        return sgt_acc + jnp.where((p21 > b12) & (p21 < hi21), v, 0.0)

    sgt_acc = p3_carry
    h0 = hist[pl.ds(0, 16)]
    hist[pl.ds(0, 16)] = h0 + jnp.where((lane == 0) & (b12 == 0), z0, 0)
    t3 = jnp.full((16,), 1, jnp.int32) * h2
    b3, above3, _ = _hist_select(hist, 64, lane, t3, k_vec)

    t_bits = jnp.minimum((b12 << 10) | b3, 0x7F7FFFFF)
    t_vec = plsc.bitcast(t_bits, jnp.float32)

    @plsc.parallel_loop(
        0, 1024, 16, unroll=2, carry=jnp.zeros((16,), jnp.float32)
    )
    def s3_carry(o, s3_acc):
        hf = histf[pl.ds(o, 16)]
        bid = lane + o
        return s3_acc + jnp.where(bid > b3, hf, 0.0)

    cgt = (above1 + above2 + above3).astype(jnp.float32)
    s_gt = jnp.sum(sgt_acc) + jnp.sum(s3_carry)
    bps = jnp.sum(bps_acc)
    sl1s = jnp.float32(0.0)
    kf = k0_vec.astype(jnp.float32)
    num_row = bps + s_gt + (kf - cgt) * t_vec
    den_row = npos_f + cgt + (kf - cgt) * jnp.where(t_vec > 0.0, 1.0, 0.0)

    part = jnp.where(
        lane == 0,
        sl1s,
        jnp.where(
            lane == 1,
            npos_f,
            jnp.where(lane == 2, num_row, jnp.where(lane == 3, den_row, 0.0)),
        ),
    )
    obuf[...] = part
    pltpu.sync_copy(obuf, out_hbm.at[wid])


_sc_kernel = functools.partial(
    pl.kernel,
    mesh=plsc.VectorSubcoreMesh(core_axis_name="c", subcore_axis_name="s"),
    out_type=jax.ShapeDtypeStruct((_B, 16), jnp.float32),
    compiler_params=pltpu.CompilerParams(needs_layout_passes=False),
    scratch_types=[
        pltpu.VMEM((_NP,), jnp.float32),
        pltpu.VMEM((_NP,), jnp.int32),
        pltpu.VMEM((_NP,), jnp.float32),
        pltpu.VMEM((2048,), jnp.int32),
        pltpu.VMEM((1024,), jnp.float32),
        pltpu.VMEM((16,), jnp.float32),
        pltpu.SemaphoreType.DMA,
        pltpu.SemaphoreType.DMA,
    ],
)(_sc_body)


def _loc_body(ld_ref, lt_ref, ct_ref, out_ref, acc_ref):
    c = pl.program_id(0)
    posf = (ct_ref[...] > 0).astype(jnp.float32)
    d = ld_ref[0] - lt_ref[0]
    ad = jnp.abs(d)
    sl1 = jnp.where(ad < 1.0, (0.5 * d) * d, ad - 0.5)
    S = jnp.sum(sl1 * posf)

    @pl.when(c == 0)
    def _():
        acc_ref[0, 0] = 0.0

    acc_ref[0, 0] += S

    @pl.when(c == 3)
    def _():
        col8 = lax.broadcasted_iota(jnp.int32, (1, 8), 1)
        out_ref[...] = jnp.where(col8 == 0, acc_ref[0, 0], 0.0)


def _fin_body(p_ref, s0_ref, out_ref):
    S0 = jnp.sum(jnp.where(lax.broadcasted_iota(jnp.int32, (1, 8), 1) == 0,
                           s0_ref[...], 0.0))
    p = p_ref[...]
    s = jnp.sum(p, axis=0, keepdims=True)
    col = lax.broadcasted_iota(jnp.int32, (1, 16), 1)
    S1 = jnp.sum(jnp.where(col == 1, s, 0.0))
    S2 = jnp.sum(jnp.where(col == 2, s, 0.0))
    S3 = jnp.sum(jnp.where(col == 3, s, 0.0))
    loss_l = S0 / (4.0 * S1) / S1
    loss_c = S2 / S3 / S1
    col8 = lax.broadcasted_iota(jnp.int32, (1, 8), 1)
    out_ref[...] = jnp.where(col8 == 0, loss_l, jnp.where(col8 == 1, loss_c, 0.0))


def kernel(loc_data, conf_data, loc_t, conf_t):
    conf_p = jnp.pad(
        conf_data, ((0, 0), (0, _NP - _N), (0, 0)), constant_values=-1e9
    )[..., 0]
    ct = conf_t.astype(jnp.int32)
    ct_p = jnp.pad(ct, ((0, 0), (0, _NP - _N)))
    ldT = jnp.transpose(loc_data, (2, 0, 1))
    ltT = jnp.transpose(loc_t, (2, 0, 1))

    partials = _sc_kernel(conf_p, ct_p)
    s0 = pl.pallas_call(
        _loc_body,
        grid=(4,),
        in_specs=[
            pl.BlockSpec((1, _B, _N), lambda c: (c, 0, 0)),
            pl.BlockSpec((1, _B, _N), lambda c: (c, 0, 0)),
            pl.BlockSpec((_B, _N), lambda c: (0, 0)),
        ],
        out_specs=pl.BlockSpec((1, 8), lambda c: (0, 0)),
        out_shape=jax.ShapeDtypeStruct((1, 8), jnp.float32),
        scratch_shapes=[pltpu.SMEM((1, 1), jnp.float32)],
    )(ldT, ltT, ct)
    out = pl.pallas_call(
        _fin_body, out_shape=jax.ShapeDtypeStruct((1, 8), jnp.float32)
    )(partials, s0)
    return (out[0, 0], out[0, 1])

# --- scband reference (transcript-rebuilt; emitter-appended) ---
"""Pipeline reference for scband-multi-box-loss-53403623358616 (READ-ONLY COPY).

The authoritative reference and input builder live on the scoring server;
editing this copy changes nothing except your own understanding.
"""

import jax, jax.numpy as jnp
import numpy as np

NEGPOS_RATIO = 3


def setup_inputs(seed: int = 0) -> dict:
    key = jax.random.key(seed)
    k1, k2, k3, k4 = jax.random.split(key, 4)
    B, N = 32, 8732
    loc_data = jax.random.normal(k1, (B, N, 4), dtype=jnp.float32)
    conf_data = jax.random.normal(k2, (B, N, 1), dtype=jnp.float32)
    loc_t = jax.random.normal(k3, (B, N, 4), dtype=jnp.float32)
    conf_t = jax.random.randint(k4, (B, N), 0, 2, dtype=jnp.int64)
    return {"loc_data": loc_data, "conf_data": conf_data, "loc_t": loc_t, "conf_t": conf_t}


def _bce_with_logits(x, z):
    # matches torch F.binary_cross_entropy_with_logits (reduction='none')
    return jnp.maximum(x, 0.0) - x * z + jnp.log1p(jnp.exp(-jnp.abs(x)))


def _smooth_l1(diff):
    ad = jnp.abs(diff)
    return jnp.where(ad < 1.0, 0.5 * diff * diff, ad - 0.5)


def reference(loc_data, conf_data, loc_t, conf_t):
    B, N = conf_t.shape
    pos_mask = conf_t > 0  # [B, N]

    # ---- localization loss: smooth L1 over positive boxes, mean reduction ----
    sl1 = _smooth_l1(loc_data - loc_t)  # [B, N, 4]
    posf = pos_mask.astype(jnp.float32)
    n_pos_total = jnp.sum(posf)
    loss_l = jnp.sum(sl1 * posf[:, :, None]) / (n_pos_total * 4.0)

    # ---- confidence loss with hard negative mining ----
    logits = conf_data[..., 0]  # [B, N]
    targets = conf_t.astype(jnp.float32)
    bce = _bce_with_logits(logits, targets)  # [B, N]
    loss_c_mat = jnp.where(pos_mask, 0.0, bce)
    loss_idx = jnp.argsort(-loss_c_mat, axis=1)  # descending sort indices
    idx_rank = jnp.argsort(loss_idx, axis=1)
    num_pos = jnp.sum(pos_mask.astype(jnp.int32), axis=1, keepdims=True)  # [B, 1]
    num_neg = jnp.minimum(num_pos * NEGPOS_RATIO, N)  # clamp max=num_dbox
    neg_mask = idx_rank < num_neg  # [B, N]
    sel = jnp.logical_or(pos_mask, neg_mask).astype(jnp.float32)
    loss_c = jnp.sum(bce * sel) / jnp.sum(sel)

    Ntot = n_pos_total
    loss_l = loss_l / Ntot
    loss_c = loss_c / Ntot
    return (loss_l, loss_c)

if __name__ == "__main__":
    import jax
    _d = setup_inputs()
    print(jax.jit(kernel)(*tuple(_d.values())))

</pallas_src>

<mosaic_0001>
#map = affine_map<(d0, d1) -> (0, 0)>
module attributes {stable_mosaic.version = 14 : i64} {
  func.func @_sc_body(%arg0: i32, %arg1: i32, %arg2: memref<32x8736xf32, #tpu.memory_space<hbm>>, %arg3: memref<32x8736xi32, #tpu.memory_space<hbm>>, %arg4: memref<32x16xf32, #tpu.memory_space<hbm>>, %arg5: memref<8736xf32, #tpu.memory_space<vmem>>, %arg6: memref<8736xi32, #tpu.memory_space<vmem>>, %arg7: memref<8736xf32, #tpu.memory_space<vmem>>, %arg8: memref<2048xi32, #tpu.memory_space<vmem>>, %arg9: memref<1024xf32, #tpu.memory_space<vmem>>, %arg10: memref<16xf32, #tpu.memory_space<vmem>>, %arg11: memref<!tpu.dma_semaphore, #tpu.memory_space<semaphore_mem>>, %arg12: memref<!tpu.dma_semaphore, #tpu.memory_space<semaphore_mem>>) attributes {dimension_semantics = [#tpu.dimension_semantics<core_parallel>, #tpu.dimension_semantics<subcore_parallel>], iteration_bounds = array<i64: 2, 16>, scalar_prefetch = 0 : i64, scratch_operands = 8 : i64, tpu.core_type = #tpu.core_type<sc_vector_subcore>, window_params = [{transform_indices = #map}, {transform_indices = #map}, {transform_indices = #map}]} {
    %mul3A = arith.constant 2 : i32
    %mul3A_0 = arith.muli %arg1, %mul3A : i32
    %add3A = arith.addi %mul3A_0, %arg0 : i32
    %dma_start3A = arith.constant 0 : i32
    %dma_start3A_1 = tpu.memref_slice %arg2[%add3A, %dma_start3A] : memref<32x8736xf32, #tpu.memory_space<hbm>> -> memref<1x8736xf32, #tpu.memory_space<hbm>>
    %dma_start3A_2 = tpu.memref_squeeze %dma_start3A_1 : memref<1x8736xf32, #tpu.memory_space<hbm>> -> memref<8736xf32, #tpu.memory_space<hbm>>
    %dma_start3A_3 = arith.constant 0 : i32
    %dma_start3A_4 = tpu.memref_slice %arg2[%add3A, %dma_start3A_3] : memref<32x8736xf32, #tpu.memory_space<hbm>> -> memref<1x8736xf32, #tpu.memory_space<hbm>>
    %dma_start3A_5 = tpu.memref_squeeze %dma_start3A_4 : memref<1x8736xf32, #tpu.memory_space<hbm>> -> memref<8736xf32, #tpu.memory_space<hbm>>
    tpu.enqueue_dma source(%dma_start3A_5 : memref<8736xf32, #tpu.memory_space<hbm>>) target(%arg5 : memref<8736xf32, #tpu.memory_space<vmem>>) target_semaphore(%arg11 : memref<!tpu.dma_semaphore, #tpu.memory_space<semaphore_mem>>)
    %dma_start3A_6 = arith.constant 0 : i32
    %dma_start3A_7 = tpu.memref_slice %arg3[%add3A, %dma_start3A_6] : memref<32x8736xi32, #tpu.memory_space<hbm>> -> memref<1x8736xi32, #tpu.memory_space<hbm>>
    %dma_start3A_8 = tpu.memref_squeeze %dma_start3A_7 : memref<1x8736xi32, #tpu.memory_space<hbm>> -> memref<8736xi32, #tpu.memory_space<hbm>>
    %dma_start3A_9 = arith.constant 0 : i32
    %dma_start3A_10 = tpu.memref_slice %arg3[%add3A, %dma_start3A_9] : memref<32x8736xi32, #tpu.memory_space<hbm>> -> memref<1x8736xi32, #tpu.memory_space<hbm>>
    %dma_start3A_11 = tpu.memref_squeeze %dma_start3A_10 : memref<1x8736xi32, #tpu.memory_space<hbm>> -> memref<8736xi32, #tpu.memory_space<hbm>>
    tpu.enqueue_dma source(%dma_start3A_11 : memref<8736xi32, #tpu.memory_space<hbm>>) target(%arg6 : memref<8736xi32, #tpu.memory_space<vmem>>) target_semaphore(%arg12 : memref<!tpu.dma_semaphore, #tpu.memory_space<semaphore_mem>>)
    %iota3A = tpu.iota {dimensions = array<i32: 0>} : vector<16xi32>
    %parallel_loop3A = arith.constant 0 : i32
    %parallel_loop3A_12 = arith.constant 2048 : i32
    %parallel_loop3A_13 = arith.constant 16 : i32
    scf.for %parallel_loop3A_302 = %parallel_loop3A to %parallel_loop3A_12 step %parallel_loop3A_13  : i32 {
      %parallel_loop3A_303 = arith.constant 0 : i32
      %parallel_loop3A_304 = vector.broadcast %parallel_loop3A_303 : i32 to vector<16xi32>
      %parallel_loop3A_305 = arith.index_cast %parallel_loop3A_302 : i32 to index
      %parallel_loop3A_306 = tpu.vector_load %arg8[%parallel_loop3A_305] {strides = array<i32>} : memref<2048xi32, #tpu.memory_space<vmem>>, vector<16xi32>,
      tpu.vector_store %arg8[%parallel_loop3A_305], %parallel_loop3A_304 {strides = array<i32>} : memref<2048xi32, #tpu.memory_space<vmem>>, vector<16xi32>,
    } {sc.loop_unroll_factor = 4 : i64, sc.parallel_access}
    %dma_wait3A = arith.constant 0 : i32
    %dma_wait3A_14 = tpu.memref_slice %arg2[%add3A, %dma_wait3A] : memref<32x8736xf32, #tpu.memory_space<hbm>> -> memref<1x8736xf32, #tpu.memory_space<hbm>>
    %dma_wait3A_15 = tpu.memref_squeeze %dma_wait3A_14 : memref<1x8736xf32, #tpu.memory_space<hbm>> -> memref<8736xf32, #tpu.memory_space<hbm>>
    %dma_wait3A_16 = arith.constant 0 : i32
    %dma_wait3A_17 = tpu.memref_slice %arg2[%add3A, %dma_wait3A_16] : memref<32x8736xf32, #tpu.memory_space<hbm>> -> memref<1x8736xf32, #tpu.memory_space<hbm>>
    %dma_wait3A_18 = tpu.memref_squeeze %dma_wait3A_17 : memref<1x8736xf32, #tpu.memory_space<hbm>> -> memref<8736xf32, #tpu.memory_space<hbm>>
    tpu.wait_dma2 semaphore(%arg11 : memref<!tpu.dma_semaphore, #tpu.memory_space<semaphore_mem>>) src(%dma_wait3A_18 : memref<8736xf32, #tpu.memory_space<hbm>>) dst(%arg5 : memref<8736xf32, #tpu.memory_space<vmem>>)
    %dma_wait3A_19 = arith.constant 0 : i32
    %dma_wait3A_20 = tpu.memref_slice %arg3[%add3A, %dma_wait3A_19] : memref<32x8736xi32, #tpu.memory_space<hbm>> -> memref<1x8736xi32, #tpu.memory_space<hbm>>
    %dma_wait3A_21 = tpu.memref_squeeze %dma_wait3A_20 : memref<1x8736xi32, #tpu.memory_space<hbm>> -> memref<8736xi32, #tpu.memory_space<hbm>>
    %dma_wait3A_22 = arith.constant 0 : i32
    %dma_wait3A_23 = tpu.memref_slice %arg3[%add3A, %dma_wait3A_22] : memref<32x8736xi32, #tpu.memory_space<hbm>> -> memref<1x8736xi32, #tpu.memory_space<hbm>>
    %dma_wait3A_24 = tpu.memref_squeeze %dma_wait3A_23 : memref<1x8736xi32, #tpu.memory_space<hbm>> -> memref<8736xi32, #tpu.memory_space<hbm>>
    tpu.wait_dma2 semaphore(%arg12 : memref<!tpu.dma_semaphore, #tpu.memory_space<semaphore_mem>>) src(%dma_wait3A_24 : memref<8736xi32, #tpu.memory_space<hbm>>) dst(%arg6 : memref<8736xi32, #tpu.memory_space<vmem>>)
    %broadcast_in_dim3A = arith.constant 1 : i32
    %broadcast_in_dim3A_25 = vector.broadcast %broadcast_in_dim3A : i32 to vector<16xi32>
    %broadcast_in_dim3A_26 = arith.constant 0.000000e+00 : f32
    %broadcast_in_dim3A_27 = vector.broadcast %broadcast_in_dim3A_26 : f32 to vector<16xf32>
    %broadcast_in_dim3A_28 = arith.constant 0.000000e+00 : f32
    %broadcast_in_dim3A_29 = vector.broadcast %broadcast_in_dim3A_28 : f32 to vector<16xf32>
    %parallel_loop3A_30 = arith.constant 0 : i32
    %parallel_loop3A_31 = arith.constant 8736 : i32
    %parallel_loop3A_32 = arith.constant 16 : i32
    %parallel_loop3A_33:2 = scf.for %parallel_loop3A_302 = %parallel_loop3A_30 to %parallel_loop3A_31 step %parallel_loop3A_32 iter_args(%parallel_loop3A_303 = %broadcast_in_dim3A_27, %parallel_loop3A_304 = %broadcast_in_dim3A_29) -> (vector<16xf32>, vector<16xf32>)  : i32 {
      %parallel_loop3A_305 = arith.index_cast %parallel_loop3A_302 : i32 to index
      %parallel_loop3A_306 = tpu.vector_load %arg5[%parallel_loop3A_305] {strides = array<i32>} : memref<8736xf32, #tpu.memory_space<vmem>>, vector<16xf32>,
      %parallel_loop3A_307 = arith.index_cast %parallel_loop3A_302 : i32 to index
      %parallel_loop3A_308 = tpu.vector_load %arg6[%parallel_loop3A_307] {strides = array<i32>} : memref<8736xi32, #tpu.memory_space<vmem>>, vector<16xi32>,
      %parallel_loop3A_309 = arith.constant 0 : i32
      %parallel_loop3A_310 = vector.broadcast %parallel_loop3A_309 : i32 to vector<16xi32>
      %parallel_loop3A_311 = arith.cmpi sgt, %parallel_loop3A_308, %parallel_loop3A_310 : vector<16xi32>
      %parallel_loop3A_312 = arith.constant 1.000000e+00 : f32
      %parallel_loop3A_313 = arith.constant 0.000000e+00 : f32
      %parallel_loop3A_314 = vector.broadcast %parallel_loop3A_312 : f32 to vector<16xf32>
      %parallel_loop3A_315 = vector.broadcast %parallel_loop3A_313 : f32 to vector<16xf32>
      %parallel_loop3A_316 = arith.select %parallel_loop3A_311, %parallel_loop3A_314, %parallel_loop3A_315 : vector<16xi1>, vector<16xf32>
      %parallel_loop3A_317 = arith.constant 0.000000e+00 : f32
      %parallel_loop3A_318 = vector.broadcast %parallel_loop3A_317 : f32 to vector<16xf32>
      %parallel_loop3A_319 = arith.maximumf %parallel_loop3A_306, %parallel_loop3A_318 : vector<16xf32>
      %parallel_loop3A_320 = arith.mulf %parallel_loop3A_306, %parallel_loop3A_316 : vector<16xf32>
      %parallel_loop3A_321 = arith.subf %parallel_loop3A_319, %parallel_loop3A_320 : vector<16xf32>
      %parallel_loop3A_322 = math.absf %parallel_loop3A_306 : vector<16xf32>
      %parallel_loop3A_323 = arith.constant 0.000000e+00 : f32
      %parallel_loop3A_324 = vector.broadcast %parallel_loop3A_323 : f32 to vector<16xf32>
      %parallel_loop3A_325 = arith.subf %parallel_loop3A_324, %parallel_loop3A_322 : vector<16xf32>
      %parallel_loop3A_326 = math.exp %parallel_loop3A_325 : vector<16xf32>
      %parallel_loop3A_327 = arith.constant 0.00518600363 : f32
      %parallel_loop3A_328 = vector.broadcast %parallel_loop3A_327 : f32 to vector<16xf32>
      %parallel_loop3A_329 = arith.mulf %parallel_loop3A_328, %parallel_loop3A_326 : vector<16xf32>
      %parallel_loop3A_330 = arith.constant -0.0292102676 : f32
      %parallel_loop3A_331 = vector.broadcast %parallel_loop3A_330 : f32 to vector<16xf32>
      %parallel_loop3A_332 = arith.addf %parallel_loop3A_329, %parallel_loop3A_331 : vector<16xf32>
      %parallel_loop3A_333 = arith.mulf %parallel_loop3A_332, %parallel_loop3A_326 : vector<16xf32>
      %parallel_loop3A_334 = arith.constant 0.0775403827 : f32
      %parallel_loop3A_335 = vector.broadcast %parallel_loop3A_334 : f32 to vector<16xf32>
      %parallel_loop3A_336 = arith.addf %parallel_loop3A_333, %parallel_loop3A_335 : vector<16xf32>
      %parallel_loop3A_337 = arith.mulf %parallel_loop3A_336, %parallel_loop3A_326 : vector<16xf32>
      %parallel_loop3A_338 = arith.constant -0.135839418 : f32
      %parallel_loop3A_339 = vector.broadcast %parallel_loop3A_338 : f32 to vector<16xf32>
      %parallel_loop3A_340 = arith.addf %parallel_loop3A_337, %parallel_loop3A_339 : vector<16xf32>
      %parallel_loop3A_341 = arith.mulf %parallel_loop3A_340, %parallel_loop3A_326 : vector<16xf32>
      %parallel_loop3A_342 = arith.constant 0.190559551 : f32
      %parallel_loop3A_343 = vector.broadcast %parallel_loop3A_342 : f32 to vector<16xf32>
      %parallel_loop3A_344 = arith.addf %parallel_loop3A_341, %parallel_loop3A_343 : vector<16xf32>
      %parallel_loop3A_345 = arith.mulf %parallel_loop3A_344, %parallel_loop3A_326 : vector<16xf32>
      %parallel_loop3A_346 = arith.constant -0.24825649 : f32
      %parallel_loop3A_347 = vector.broadcast %parallel_loop3A_346 : f32 to vector<16xf32>
      %parallel_loop3A_348 = arith.addf %parallel_loop3A_345, %parallel_loop3A_347 : vector<16xf32>
      %parallel_loop3A_349 = arith.mulf %parallel_loop3A_348, %parallel_loop3A_326 : vector<16xf32>
      %parallel_loop3A_350 = arith.constant 0.333160102 : f32
      %parallel_loop3A_351 = vector.broadcast %parallel_loop3A_350 : f32 to vector<16xf32>
      %parallel_loop3A_352 = arith.addf %parallel_loop3A_349, %parallel_loop3A_351 : vector<16xf32>
      %parallel_loop3A_353 = arith.mulf %parallel_loop3A_352, %parallel_loop3A_326 : vector<16xf32>
      %parallel_loop3A_354 = arith.constant -0.499992549 : f32
      %parallel_loop3A_355 = vector.broadcast %parallel_loop3A_354 : f32 to vector<16xf32>
      %parallel_loop3A_356 = arith.addf %parallel_loop3A_353, %parallel_loop3A_355 : vector<16xf32>
      %parallel_loop3A_357 = arith.mulf %parallel_loop3A_356, %parallel_loop3A_326 : vector<16xf32>
      %parallel_loop3A_358 = arith.constant 0.99999994 : f32
      %parallel_loop3A_359 = vector.broadcast %parallel_loop3A_358 : f32 to vector<16xf32>
      %parallel_loop3A_360 = arith.addf %parallel_loop3A_357, %parallel_loop3A_359 : vector<16xf32>
      %parallel_loop3A_361 = arith.mulf %parallel_loop3A_326, %parallel_loop3A_360 : vector<16xf32>
      %parallel_loop3A_362 = arith.addf %parallel_loop3A_321, %parallel_loop3A_361 : vector<16xf32>
      %parallel_loop3A_363 = arith.constant 0.000000e+00 : f32
      %parallel_loop3A_364 = vector.broadcast %parallel_loop3A_363 : f32 to vector<16xf32>
      %parallel_loop3A_365 = arith.select %parallel_loop3A_311, %parallel_loop3A_364, %parallel_loop3A_362 : vector<16xi1>, vector<16xf32>
      %parallel_loop3A_366 = arith.index_cast %parallel_loop3A_302 : i32 to index
      %parallel_loop3A_367 = tpu.vector_load %arg7[%parallel_loop3A_366] {strides = array<i32>} : memref<8736xf32, #tpu.memory_space<vmem>>, vector<16xf32>,
      tpu.vector_store %arg7[%parallel_loop3A_366], %parallel_loop3A_365 {strides = array<i32>} : memref<8736xf32, #tpu.memory_space<vmem>>, vector<16xf32>,
      %parallel_loop3A_368 = vector.bitcast %parallel_loop3A_365 : vector<16xf32> to vector<16xi32>
      %parallel_loop3A_369 = arith.constant 20 : i32
      %parallel_loop3A_370 = vector.broadcast %parallel_loop3A_369 : i32 to vector<16xi32>
      %parallel_loop3A_371 = arith.shrsi %parallel_loop3A_368, %parallel_loop3A_370 : vector<16xi32>
      %parallel_loop3A_372 = arith.constant 0 : i32
      %parallel_loop3A_373 = vector.broadcast %parallel_loop3A_372 : i32 to vector<16xi32>
      %parallel_loop3A_374 = arith.cmpi ne, %parallel_loop3A_368, %parallel_loop3A_373 : vector<16xi32>
      tpu.vector_store_idx %arg8[%parallel_loop3A_371], %broadcast_in_dim3A_25 masked %parallel_loop3A_374 {add = true} : memref<2048xi32, #tpu.memory_space<vmem>>[vector<16xi32>], vector<16xi32>, vector<16xi1>
      %parallel_loop3A_375 = arith.addf %parallel_loop3A_303, %parallel_loop3A_316 : vector<16xf32>
      %parallel_loop3A_376 = arith.mulf %parallel_loop3A_362, %parallel_loop3A_316 : vector<16xf32>
      %parallel_loop3A_377 = arith.addf %parallel_loop3A_304, %parallel_loop3A_376 : vector<16xf32>
      scf.yield %parallel_loop3A_375, %parallel_loop3A_377 : vector<16xf32>, vector<16xf32>
    } {sc.loop_unroll_factor = 4 : i64, sc.parallel_access}
    %reduce_sum3A = arith.constant true
    %reduce_sum3A_34 = vector.broadcast %reduce_sum3A : i1 to vector<16xi1>
    %reduce_sum3A_35 = tpu.scan <sum>, %parallel_loop3A_33#0 masked %reduce_sum3A_34 : vector<16xf32>, vector<16xi1> -> vector<16xf32>
    %reduce_sum3A_36 = vector.extract %reduce_sum3A_35[15] : f32 from vector<16xf32>
    %convert_element_type3A = arith.fptosi %reduce_sum3A_36 : f32 to i32
    %add3A_37 = arith.constant 4 : i32
    %add3A_38 = arith.addi %convert_element_type3A, %add3A_37 : i32
    %get3A = arith.constant 0 : index
    %get3A_39 = tpu.vector_load %arg8[%get3A] {strides = array<i32>} : memref<2048xi32, #tpu.memory_space<vmem>>, vector<16xi32>,
    %eq3A = arith.constant 0 : i32
    %eq3A_40 = vector.broadcast %eq3A : i32 to vector<16xi32>
    %eq3A_41 = arith.cmpi eq, %iota3A, %eq3A_40 : vector<16xi32>
    %jit3A = arith.constant 0 : i32
    %broadcast_in_dim3A_42 = vector.broadcast %add3A_38 : i32 to vector<16xi32>
    %broadcast_in_dim3A_43 = vector.broadcast %jit3A : i32 to vector<16xi32>
    %select_n3A = arith.select %eq3A_41, %broadcast_in_dim3A_42, %broadcast_in_dim3A_43 : vector<16xi1>, vector<16xi32>
    %add3A_44 = arith.addi %get3A_39, %select_n3A : vector<16xi32>
    %swap3A = arith.constant 0 : index
    %swap3A_45 = tpu.vector_load %arg8[%swap3A] {strides = array<i32>} : memref<2048xi32, #tpu.memory_space<vmem>>, vector<16xi32>,
    tpu.vector_store %arg8[%swap3A], %add3A_44 {strides = array<i32>} : memref<2048xi32, #tpu.memory_space<vmem>>, vector<16xi32>,
    %mul3A_46 = arith.constant 3 : i32
    %mul3A_47 = arith.muli %convert_element_type3A, %mul3A_46 : i32
    %min3A = arith.constant 8732 : i32
    %min3A_48 = arith.minsi %mul3A_47, %min3A : i32
    %broadcast_in_dim3A_49 = arith.constant 1 : i32
    %broadcast_in_dim3A_50 = vector.broadcast %broadcast_in_dim3A_49 : i32 to vector<16xi32>
    %mul3A_51 = vector.broadcast %min3A_48 : i32 to vector<16xi32>
    %mul3A_52 = arith.muli %broadcast_in_dim3A_50, %mul3A_51 : vector<16xi32>
    %broadcast_in_dim3A_53 = arith.constant 8736 : i32
    %broadcast_in_dim3A_54 = vector.broadcast %broadcast_in_dim3A_53 : i32 to vector<16xi32>
    %sub3A = arith.subi %broadcast_in_dim3A_54, %mul3A_52 : vector<16xi32>
    %broadcast_in_dim3A_55 = arith.constant 2147483647 : i32
    %broadcast_in_dim3A_56 = vector.broadcast %broadcast_in_dim3A_55 : i32 to vector<16xi32>
    %broadcast_in_dim3A_57 = arith.constant 0 : i32
    %broadcast_in_dim3A_58 = vector.broadcast %broadcast_in_dim3A_57 : i32 to vector<16xi32>
    %broadcast_in_dim3A_59 = arith.constant 0 : i32
    %broadcast_in_dim3A_60 = vector.broadcast %broadcast_in_dim3A_59 : i32 to vector<16xi32>
    %broadcast_in_dim3A_61 = arith.constant 2147483647 : i32
    %broadcast_in_dim3A_62 = vector.broadcast %broadcast_in_dim3A_61 : i32 to vector<16xi32>
    %parallel_loop3A_63 = arith.constant 0 : i32
    %parallel_loop3A_64 = arith.constant 2048 : i32
    %parallel_loop3A_65 = arith.constant 16 : i32
    %parallel_loop3A_66 = arith.constant 0 : i32
    %parallel_loop3A_67:4 = scf.for %parallel_loop3A_302 = %parallel_loop3A_63 to %parallel_loop3A_64 step %parallel_loop3A_65 iter_args(%parallel_loop3A_303 = %broadcast_in_dim3A_58, %parallel_loop3A_304 = %broadcast_in_dim3A_60, %parallel_loop3A_305 = %broadcast_in_dim3A_62, %parallel_loop3A_306 = %parallel_loop3A_66) -> (vector<16xi32>, vector<16xi32>, vector<16xi32>, i32)  : i32 {
      %parallel_loop3A_307 = arith.index_cast %parallel_loop3A_302 : i32 to index
      %parallel_loop3A_308 = tpu.vector_load %arg8[%parallel_loop3A_307] {strides = array<i32>} : memref<2048xi32, #tpu.memory_space<vmem>>, vector<16xi32>,
      %parallel_loop3A_309 = arith.constant true
      %parallel_loop3A_310 = vector.broadcast %parallel_loop3A_309 : i1 to vector<16xi1>
      %parallel_loop3A_311 = tpu.scan <sum>, %parallel_loop3A_308 masked %parallel_loop3A_310 : vector<16xi32>, vector<16xi1> -> vector<16xi32>
      %parallel_loop3A_312 = arith.subi %parallel_loop3A_311, %parallel_loop3A_308 : vector<16xi32>
      %parallel_loop3A_313 = vector.broadcast %parallel_loop3A_306 : i32 to vector<16xi32>
      %parallel_loop3A_314 = arith.addi %parallel_loop3A_312, %parallel_loop3A_313 : vector<16xi32>
      %parallel_loop3A_315 = arith.cmpi sle, %parallel_loop3A_314, %sub3A : vector<16xi32>
      %parallel_loop3A_316 = tpu.all_reduce %parallel_loop3A_315 {dim = 0 : i64, kind = #tpu.reduction_kind<sum>} : vector<16xi1> -> vector<16xi32>
      %parallel_loop3A_317 = arith.addi %parallel_loop3A_303, %parallel_loop3A_316 : vector<16xi32>
      %parallel_loop3A_318 = arith.constant 0 : i32
      %parallel_loop3A_319 = vector.broadcast %parallel_loop3A_318 : i32 to vector<16xi32>
      %parallel_loop3A_320 = arith.select %parallel_loop3A_315, %parallel_loop3A_314, %parallel_loop3A_319 : vector<16xi1>, vector<16xi32>
      %parallel_loop3A_321 = arith.maxsi %parallel_loop3A_304, %parallel_loop3A_320 : vector<16xi32>
      %parallel_loop3A_322 = arith.select %parallel_loop3A_315, %broadcast_in_dim3A_56, %parallel_loop3A_314 : vector<16xi1>, vector<16xi32>
      %parallel_loop3A_323 = arith.minsi %parallel_loop3A_305, %parallel_loop3A_322 : vector<16xi32>
      %parallel_loop3A_324 = vector.extract_strided_slice %parallel_loop3A_311 {offsets = [15], sizes = [1], strides = [1]} : vector<16xi32> to vector<1xi32>
      %parallel_loop3A_325 = vector.extract %parallel_loop3A_324[0] : i32 from vector<1xi32>
      %parallel_loop3A_326 = arith.addi %parallel_loop3A_306, %parallel_loop3A_325 : i32
      scf.yield %parallel_loop3A_317, %parallel_loop3A_321, %parallel_loop3A_323, %parallel_loop3A_326 : vector<16xi32>, vector<16xi32>, vector<16xi32>, i32
    } {sc.loop_unroll_factor = 2 : i64, sc.parallel_access}
    %sub3A_68 = arith.constant 1 : i32
    %sub3A_69 = vector.broadcast %sub3A_68 : i32 to vector<16xi32>
    %sub3A_70 = arith.subi %parallel_loop3A_67#0, %sub3A_69 : vector<16xi32>
    %reduce_max3A = arith.constant true
    %reduce_max3A_71 = vector.broadcast %reduce_max3A : i1 to vector<16xi1>
    %reduce_max3A_72 = arith.constant -2147483648 : i32
    %reduce_max3A_73 = vector.broadcast %reduce_max3A_72 : i32 to vector<16xi32>
    %reduce_max3A_74 = arith.xori %parallel_loop3A_67#1, %reduce_max3A_73 : vector<16xi32>
    %reduce_max3A_75 = tpu.scan <max>, %reduce_max3A_74 masked %reduce_max3A_71 : vector<16xi32>, vector<16xi1> -> vector<16xi32>
    %reduce_max3A_76 = arith.xori %reduce_max3A_75, %reduce_max3A_73 : vector<16xi32>
    %reduce_max3A_77 = vector.extract %reduce_max3A_76[15] : i32 from vector<16xi32>
    %reduce_min3A = arith.constant true
    %reduce_min3A_78 = vector.broadcast %reduce_min3A : i1 to vector<16xi1>
    %reduce_min3A_79 = arith.constant -2147483648 : i32
    %reduce_min3A_80 = vector.broadcast %reduce_min3A_79 : i32 to vector<16xi32>
    %reduce_min3A_81 = arith.xori %parallel_loop3A_67#2, %reduce_min3A_80 : vector<16xi32>
    %reduce_min3A_82 = tpu.scan <min>, %reduce_min3A_81 masked %reduce_min3A_78 : vector<16xi32>, vector<16xi1> -> vector<16xi32>
    %reduce_min3A_83 = arith.xori %reduce_min3A_82, %reduce_min3A_80 : vector<16xi32>
    %reduce_min3A_84 = vector.extract %reduce_min3A_83[15] : i32 from vector<16xi32>
    %min3A_85 = arith.minsi %reduce_min3A_84, %parallel_loop3A_67#3 : i32
    %sub3A_86 = arith.subi %parallel_loop3A_67#3, %min3A_85 : i32
    %sub3A_87 = arith.subi %min3A_85, %reduce_max3A_77 : i32
    %sub3A_88 = vector.broadcast %sub3A_86 : i32 to vector<16xi32>
    %sub3A_89 = arith.subi %mul3A_52, %sub3A_88 : vector<16xi32>
    %parallel_loop3A_90 = arith.constant 0 : i32
    %parallel_loop3A_91 = arith.constant 1024 : i32
    %parallel_loop3A_92 = arith.constant 16 : i32
    scf.for %parallel_loop3A_302 = %parallel_loop3A_90 to %parallel_loop3A_91 step %parallel_loop3A_92  : i32 {
      %parallel_loop3A_303 = arith.constant 0 : i32
      %parallel_loop3A_304 = vector.broadcast %parallel_loop3A_303 : i32 to vector<16xi32>
      %parallel_loop3A_305 = arith.index_cast %parallel_loop3A_302 : i32 to index
      %parallel_loop3A_306 = tpu.vector_load %arg8[%parallel_loop3A_305] {strides = array<i32>} : memref<2048xi32, #tpu.memory_space<vmem>>, vector<16xi32>,
      tpu.vector_store %arg8[%parallel_loop3A_305], %parallel_loop3A_304 {strides = array<i32>} : memref<2048xi32, #tpu.memory_space<vmem>>, vector<16xi32>,
    } {sc.loop_unroll_factor = 4 : i64, sc.parallel_access}
    %broadcast_in_dim3A_93 = arith.constant 0.000000e+00 : f32
    %broadcast_in_dim3A_94 = vector.broadcast %broadcast_in_dim3A_93 : f32 to vector<16xf32>
    %parallel_loop3A_95 = arith.constant 0 : i32
    %parallel_loop3A_96 = arith.constant 8736 : i32
    %parallel_loop3A_97 = arith.constant 16 : i32
    %parallel_loop3A_98 = scf.for %parallel_loop3A_302 = %parallel_loop3A_95 to %parallel_loop3A_96 step %parallel_loop3A_97 iter_args(%parallel_loop3A_303 = %broadcast_in_dim3A_94) -> (vector<16xf32>)  : i32 {
      %parallel_loop3A_304 = arith.index_cast %parallel_loop3A_302 : i32 to index
      %parallel_loop3A_305 = tpu.vector_load %arg7[%parallel_loop3A_304] {strides = array<i32>} : memref<8736xf32, #tpu.memory_space<vmem>>, vector<16xf32>,
      %parallel_loop3A_306 = vector.bitcast %parallel_loop3A_305 : vector<16xf32> to vector<16xi32>
      %parallel_loop3A_307 = arith.constant 20 : i32
      %parallel_loop3A_308 = vector.broadcast %parallel_loop3A_307 : i32 to vector<16xi32>
      %parallel_loop3A_309 = arith.shrsi %parallel_loop3A_306, %parallel_loop3A_308 : vector<16xi32>
      %parallel_loop3A_310 = arith.cmpi eq, %parallel_loop3A_309, %sub3A_70 : vector<16xi32>
      %parallel_loop3A_311 = arith.constant 0 : i32
      %parallel_loop3A_312 = vector.broadcast %parallel_loop3A_311 : i32 to vector<16xi32>
      %parallel_loop3A_313 = arith.cmpi ne, %parallel_loop3A_306, %parallel_loop3A_312 : vector<16xi32>
      %parallel_loop3A_314 = arith.andi %parallel_loop3A_310, %parallel_loop3A_313 : vector<16xi1>
      %parallel_loop3A_315 = arith.constant 10 : i32
      %parallel_loop3A_316 = vector.broadcast %parallel_loop3A_315 : i32 to vector<16xi32>
      %parallel_loop3A_317 = arith.shrsi %parallel_loop3A_306, %parallel_loop3A_316 : vector<16xi32>
      %parallel_loop3A_318 = arith.constant 1023 : i32
      %parallel_loop3A_319 = vector.broadcast %parallel_loop3A_318 : i32 to vector<16xi32>
      %parallel_loop3A_320 = arith.andi %parallel_loop3A_317, %parallel_loop3A_319 : vector<16xi32>
      tpu.vector_store_idx %arg8[%parallel_loop3A_320], %broadcast_in_dim3A_25 masked %parallel_loop3A_314 {add = true} : memref<2048xi32, #tpu.memory_space<vmem>>[vector<16xi32>], vector<16xi32>, vector<16xi1>
      %parallel_loop3A_321 = arith.cmpi sgt, %parallel_loop3A_309, %sub3A_70 : vector<16xi32>
      %parallel_loop3A_322 = arith.constant 0.000000e+00 : f32
      %parallel_loop3A_323 = vector.broadcast %parallel_loop3A_322 : f32 to vector<16xf32>
      %parallel_loop3A_324 = arith.select %parallel_loop3A_321, %parallel_loop3A_305, %parallel_loop3A_323 : vector<16xi1>, vector<16xf32>
      %parallel_loop3A_325 = arith.addf %parallel_loop3A_303, %parallel_loop3A_324 : vector<16xf32>
      scf.yield %parallel_loop3A_325 : vector<16xf32>
    } {sc.loop_unroll_factor = 4 : i64, sc.parallel_access}
    %get3A_99 = arith.constant 0 : index
    %get3A_100 = tpu.vector_load %arg8[%get3A_99] {strides = array<i32>} : memref<2048xi32, #tpu.memory_space<vmem>>, vector<16xi32>,
    %eq3A_101 = arith.constant 0 : i32
    %eq3A_102 = vector.broadcast %eq3A_101 : i32 to vector<16xi32>
    %eq3A_103 = arith.cmpi eq, %iota3A, %eq3A_102 : vector<16xi32>
    %eq3A_104 = arith.constant 0 : i32
    %eq3A_105 = vector.broadcast %eq3A_104 : i32 to vector<16xi32>
    %eq3A_106 = arith.cmpi eq, %sub3A_70, %eq3A_105 : vector<16xi32>
    %and3A = arith.andi %eq3A_103, %eq3A_106 : vector<16xi1>
    %jit3A_107 = arith.constant 0 : i32
    %broadcast_in_dim3A_108 = vector.broadcast %add3A_38 : i32 to vector<16xi32>
    %broadcast_in_dim3A_109 = vector.broadcast %jit3A_107 : i32 to vector<16xi32>
    %select_n3A_110 = arith.select %and3A, %broadcast_in_dim3A_108, %broadcast_in_dim3A_109 : vector<16xi1>, vector<16xi32>
    %add3A_111 = arith.addi %get3A_100, %select_n3A_110 : vector<16xi32>
    %swap3A_112 = arith.constant 0 : index
    %swap3A_113 = tpu.vector_load %arg8[%swap3A_112] {strides = array<i32>} : memref<2048xi32, #tpu.memory_space<vmem>>, vector<16xi32>,
    tpu.vector_store %arg8[%swap3A_112], %add3A_111 {strides = array<i32>} : memref<2048xi32, #tpu.memory_space<vmem>>, vector<16xi32>,
    %broadcast_in_dim3A_114 = arith.constant 1 : i32
    %broadcast_in_dim3A_115 = vector.broadcast %broadcast_in_dim3A_114 : i32 to vector<16xi32>
    %mul3A_116 = vector.broadcast %sub3A_87 : i32 to vector<16xi32>
    %mul3A_117 = arith.muli %broadcast_in_dim3A_115, %mul3A_116 : vector<16xi32>
    %sub3A_118 = arith.subi %mul3A_117, %sub3A_89 : vector<16xi32>
    %broadcast_in_dim3A_119 = arith.constant 2147483647 : i32
    %broadcast_in_dim3A_120 = vector.broadcast %broadcast_in_dim3A_119 : i32 to vector<16xi32>
    %broadcast_in_dim3A_121 = arith.constant 0 : i32
    %broadcast_in_dim3A_122 = vector.broadcast %broadcast_in_dim3A_121 : i32 to vector<16xi32>
    %broadcast_in_dim3A_123 = arith.constant 0 : i32
    %broadcast_in_dim3A_124 = vector.broadcast %broadcast_in_dim3A_123 : i32 to vector<16xi32>
    %broadcast_in_dim3A_125 = arith.constant 2147483647 : i32
    %broadcast_in_dim3A_126 = vector.broadcast %broadcast_in_dim3A_125 : i32 to vector<16xi32>
    %parallel_loop3A_127 = arith.constant 0 : i32
    %parallel_loop3A_128 = arith.constant 1024 : i32
    %parallel_loop3A_129 = arith.constant 16 : i32
    %parallel_loop3A_130 = arith.constant 0 : i32
    %parallel_loop3A_131:4 = scf.for %parallel_loop3A_302 = %parallel_loop3A_127 to %parallel_loop3A_128 step %parallel_loop3A_129 iter_args(%parallel_loop3A_303 = %broadcast_in_dim3A_122, %parallel_loop3A_304 = %broadcast_in_dim3A_124, %parallel_loop3A_305 = %broadcast_in_dim3A_126, %parallel_loop3A_306 = %parallel_loop3A_130) -> (vector<16xi32>, vector<16xi32>, vector<16xi32>, i32)  : i32 {
      %parallel_loop3A_307 = arith.index_cast %parallel_loop3A_302 : i32 to index
      %parallel_loop3A_308 = tpu.vector_load %arg8[%parallel_loop3A_307] {strides = array<i32>} : memref<2048xi32, #tpu.memory_space<vmem>>, vector<16xi32>,
      %parallel_loop3A_309 = arith.constant true
      %parallel_loop3A_310 = vector.broadcast %parallel_loop3A_309 : i1 to vector<16xi1>
      %parallel_loop3A_311 = tpu.scan <sum>, %parallel_loop3A_308 masked %parallel_loop3A_310 : vector<16xi32>, vector<16xi1> -> vector<16xi32>
      %parallel_loop3A_312 = arith.subi %parallel_loop3A_311, %parallel_loop3A_308 : vector<16xi32>
      %parallel_loop3A_313 = vector.broadcast %parallel_loop3A_306 : i32 to vector<16xi32>
      %parallel_loop3A_314 = arith.addi %parallel_loop3A_312, %parallel_loop3A_313 : vector<16xi32>
      %parallel_loop3A_315 = arith.cmpi sle, %parallel_loop3A_314, %sub3A_118 : vector<16xi32>
      %parallel_loop3A_316 = tpu.all_reduce %parallel_loop3A_315 {dim = 0 : i64, kind = #tpu.reduction_kind<sum>} : vector<16xi1> -> vector<16xi32>
      %parallel_loop3A_317 = arith.addi %parallel_loop3A_303, %parallel_loop3A_316 : vector<16xi32>
      %parallel_loop3A_318 = arith.constant 0 : i32
      %parallel_loop3A_319 = vector.broadcast %parallel_loop3A_318 : i32 to vector<16xi32>
      %parallel_loop3A_320 = arith.select %parallel_loop3A_315, %parallel_loop3A_314, %parallel_loop3A_319 : vector<16xi1>, vector<16xi32>
      %parallel_loop3A_321 = arith.maxsi %parallel_loop3A_304, %parallel_loop3A_320 : vector<16xi32>
      %parallel_loop3A_322 = arith.select %parallel_loop3A_315, %broadcast_in_dim3A_120, %parallel_loop3A_314 : vector<16xi1>, vector<16xi32>
      %parallel_loop3A_323 = arith.minsi %parallel_loop3A_305, %parallel_loop3A_322 : vector<16xi32>
      %parallel_loop3A_324 = vector.extract_strided_slice %parallel_loop3A_311 {offsets = [15], sizes = [1], strides = [1]} : vector<16xi32> to vector<1xi32>
      %parallel_loop3A_325 = vector.extract %parallel_loop3A_324[0] : i32 from vector<1xi32>
      %parallel_loop3A_326 = arith.addi %parallel_loop3A_306, %parallel_loop3A_325 : i32
      scf.yield %parallel_loop3A_317, %parallel_loop3A_321, %parallel_loop3A_323, %parallel_loop3A_326 : vector<16xi32>, vector<16xi32>, vector<16xi32>, i32
    } {sc.loop_unroll_factor = 2 : i64, sc.parallel_access}
    %sub3A_132 = arith.constant 1 : i32
    %sub3A_133 = vector.broadcast %sub3A_132 : i32 to vector<16xi32>
    %sub3A_134 = arith.subi %parallel_loop3A_131#0, %sub3A_133 : vector<16xi32>
    %reduce_max3A_135 = arith.constant true
    %reduce_max3A_136 = vector.broadcast %reduce_max3A_135 : i1 to vector<16xi1>
    %reduce_max3A_137 = arith.constant -2147483648 : i32
    %reduce_max3A_138 = vector.broadcast %reduce_max3A_137 : i32 to vector<16xi32>
    %reduce_max3A_139 = arith.xori %parallel_loop3A_131#1, %reduce_max3A_138 : vector<16xi32>
    %reduce_max3A_140 = tpu.scan <max>, %reduce_max3A_139 masked %reduce_max3A_136 : vector<16xi32>, vector<16xi1> -> vector<16xi32>
    %reduce_max3A_141 = arith.xori %reduce_max3A_140, %reduce_max3A_138 : vector<16xi32>
    %reduce_max3A_142 = vector.extract %reduce_max3A_141[15] : i32 from vector<16xi32>
    %reduce_min3A_143 = arith.constant true
    %reduce_min3A_144 = vector.broadcast %reduce_min3A_143 : i1 to vector<16xi1>
    %reduce_min3A_145 = arith.constant -2147483648 : i32
    %reduce_min3A_146 = vector.broadcast %reduce_min3A_145 : i32 to vector<16xi32>
    %reduce_min3A_147 = arith.xori %parallel_loop3A_131#2, %reduce_min3A_146 : vector<16xi32>
    %reduce_min3A_148 = tpu.scan <min>, %reduce_min3A_147 masked %reduce_min3A_144 : vector<16xi32>, vector<16xi1> -> vector<16xi32>
    %reduce_min3A_149 = arith.xori %reduce_min3A_148, %reduce_min3A_146 : vector<16xi32>
    %reduce_min3A_150 = vector.extract %reduce_min3A_149[15] : i32 from vector<16xi32>
    %min3A_151 = arith.minsi %reduce_min3A_150, %parallel_loop3A_131#3 : i32
    %sub3A_152 = arith.subi %parallel_loop3A_131#3, %min3A_151 : i32
    %sub3A_153 = arith.subi %min3A_151, %reduce_max3A_142 : i32
    %sub3A_154 = vector.broadcast %sub3A_152 : i32 to vector<16xi32>
    %sub3A_155 = arith.subi %sub3A_89, %sub3A_154 : vector<16xi32>
    %parallel_loop3A_156 = arith.constant 0 : i32
    %parallel_loop3A_157 = arith.constant 1024 : i32
    %parallel_loop3A_158 = arith.constant 16 : i32
    scf.for %parallel_loop3A_302 = %parallel_loop3A_156 to %parallel_loop3A_157 step %parallel_loop3A_158  : i32 {
      %parallel_loop3A_303 = arith.constant 0 : i32
      %parallel_loop3A_304 = vector.broadcast %parallel_loop3A_303 : i32 to vector<16xi32>
      %parallel_loop3A_305 = arith.index_cast %parallel_loop3A_302 : i32 to index
      %parallel_loop3A_306 = tpu.vector_load %arg8[%parallel_loop3A_305] {strides = array<i32>} : memref<2048xi32, #tpu.memory_space<vmem>>, vector<16xi32>,
      tpu.vector_store %arg8[%parallel_loop3A_305], %parallel_loop3A_304 {strides = array<i32>} : memref<2048xi32, #tpu.memory_space<vmem>>, vector<16xi32>,
    } {sc.loop_unroll_factor = 4 : i64, sc.parallel_access}
    %parallel_loop3A_159 = arith.constant 0 : i32
    %parallel_loop3A_160 = arith.constant 1024 : i32
    %parallel_loop3A_161 = arith.constant 16 : i32
    scf.for %parallel_loop3A_302 = %parallel_loop3A_159 to %parallel_loop3A_160 step %parallel_loop3A_161  : i32 {
      %parallel_loop3A_303 = arith.constant 0.000000e+00 : f32
      %parallel_loop3A_304 = vector.broadcast %parallel_loop3A_303 : f32 to vector<16xf32>
      %parallel_loop3A_305 = arith.index_cast %parallel_loop3A_302 : i32 to index
      %parallel_loop3A_306 = tpu.vector_load %arg9[%parallel_loop3A_305] {strides = array<i32>} : memref<1024xf32, #tpu.memory_space<vmem>>, vector<16xf32>,
      tpu.vector_store %arg9[%parallel_loop3A_305], %parallel_loop3A_304 {strides = array<i32>} : memref<1024xf32, #tpu.memory_space<vmem>>, vector<16xf32>,
    } {sc.loop_unroll_factor = 4 : i64, sc.parallel_access}
    %shift_left3A = arith.constant 10 : i32
    %shift_left3A_162 = vector.broadcast %shift_left3A : i32 to vector<16xi32>
    %shift_left3A_163 = arith.shli %sub3A_70, %shift_left3A_162 : vector<16xi32>
    %or3A = arith.ori %shift_left3A_163, %sub3A_134 : vector<16xi32>
    %add3A_164 = arith.constant 1 : i32
    %add3A_165 = vector.broadcast %add3A_164 : i32 to vector<16xi32>
    %add3A_166 = arith.addi %sub3A_70, %add3A_165 : vector<16xi32>
    %shift_left3A_167 = arith.constant 10 : i32
    %shift_left3A_168 = vector.broadcast %shift_left3A_167 : i32 to vector<16xi32>
    %shift_left3A_169 = arith.shli %add3A_166, %shift_left3A_168 : vector<16xi32>
    %parallel_loop3A_170 = arith.constant 0 : i32
    %parallel_loop3A_171 = arith.constant 8736 : i32
    %parallel_loop3A_172 = arith.constant 16 : i32
    %parallel_loop3A_173 = scf.for %parallel_loop3A_302 = %parallel_loop3A_170 to %parallel_loop3A_171 step %parallel_loop3A_172 iter_args(%parallel_loop3A_303 = %parallel_loop3A_98) -> (vector<16xf32>)  : i32 {
      %parallel_loop3A_304 = arith.index_cast %parallel_loop3A_302 : i32 to index
      %parallel_loop3A_305 = tpu.vector_load %arg7[%parallel_loop3A_304] {strides = array<i32>} : memref<8736xf32, #tpu.memory_space<vmem>>, vector<16xf32>,
      %parallel_loop3A_306 = vector.bitcast %parallel_loop3A_305 : vector<16xf32> to vector<16xi32>
      %parallel_loop3A_307 = arith.constant 10 : i32
      %parallel_loop3A_308 = vector.broadcast %parallel_loop3A_307 : i32 to vector<16xi32>
      %parallel_loop3A_309 = arith.shrsi %parallel_loop3A_306, %parallel_loop3A_308 : vector<16xi32>
      %parallel_loop3A_310 = arith.cmpi eq, %parallel_loop3A_309, %or3A : vector<16xi32>
      %parallel_loop3A_311 = arith.constant 0 : i32
      %parallel_loop3A_312 = vector.broadcast %parallel_loop3A_311 : i32 to vector<16xi32>
      %parallel_loop3A_313 = arith.cmpi ne, %parallel_loop3A_306, %parallel_loop3A_312 : vector<16xi32>
      %parallel_loop3A_314 = arith.andi %parallel_loop3A_310, %parallel_loop3A_313 : vector<16xi1>
      %parallel_loop3A_315 = arith.constant 1023 : i32
      %parallel_loop3A_316 = vector.broadcast %parallel_loop3A_315 : i32 to vector<16xi32>
      %parallel_loop3A_317 = arith.andi %parallel_loop3A_306, %parallel_loop3A_316 : vector<16xi32>
      tpu.vector_store_idx %arg8[%parallel_loop3A_317], %broadcast_in_dim3A_25 masked %parallel_loop3A_314 {add = true} : memref<2048xi32, #tpu.memory_space<vmem>>[vector<16xi32>], vector<16xi32>, vector<16xi1>
      %parallel_loop3A_318 = arith.constant 1023 : i32
      %parallel_loop3A_319 = vector.broadcast %parallel_loop3A_318 : i32 to vector<16xi32>
      %parallel_loop3A_320 = arith.andi %parallel_loop3A_306, %parallel_loop3A_319 : vector<16xi32>
      tpu.vector_store_idx %arg9[%parallel_loop3A_320], %parallel_loop3A_305 masked %parallel_loop3A_314 {add = true} : memref<1024xf32, #tpu.memory_space<vmem>>[vector<16xi32>], vector<16xf32>, vector<16xi1>
      %parallel_loop3A_321 = arith.cmpi sgt, %parallel_loop3A_309, %or3A : vector<16xi32>
      %parallel_loop3A_322 = arith.cmpi slt, %parallel_loop3A_309, %shift_left3A_169 : vector<16xi32>
      %parallel_loop3A_323 = arith.andi %parallel_loop3A_321, %parallel_loop3A_322 : vector<16xi1>
      %parallel_loop3A_324 = arith.constant 0.000000e+00 : f32
      %parallel_loop3A_325 = vector.broadcast %parallel_loop3A_324 : f32 to vector<16xf32>
      %parallel_loop3A_326 = arith.select %parallel_loop3A_323, %parallel_loop3A_305, %parallel_loop3A_325 : vector<16xi1>, vector<16xf32>
      %parallel_loop3A_327 = arith.addf %parallel_loop3A_303, %parallel_loop3A_326 : vector<16xf32>
      scf.yield %parallel_loop3A_327 : vector<16xf32>
    } {sc.loop_unroll_factor = 4 : i64, sc.parallel_access}
    %get3A_174 = arith.constant 0 : index
    %get3A_175 = tpu.vector_load %arg8[%get3A_174] {strides = array<i32>} : memref<2048xi32, #tpu.memory_space<vmem>>, vector<16xi32>,
    %eq3A_176 = arith.constant 0 : i32
    %eq3A_177 = vector.broadcast %eq3A_176 : i32 to vector<16xi32>
    %eq3A_178 = arith.cmpi eq, %iota3A, %eq3A_177 : vector<16xi32>
    %eq3A_179 = arith.constant 0 : i32
    %eq3A_180 = vector.broadcast %eq3A_179 : i32 to vector<16xi32>
    %eq3A_181 = arith.cmpi eq, %or3A, %eq3A_180 : vector<16xi32>
    %and3A_182 = arith.andi %eq3A_178, %eq3A_181 : vector<16xi1>
    %jit3A_183 = arith.constant 0 : i32
    %broadcast_in_dim3A_184 = vector.broadcast %add3A_38 : i32 to vector<16xi32>
    %broadcast_in_dim3A_185 = vector.broadcast %jit3A_183 : i32 to vector<16xi32>
    %select_n3A_186 = arith.select %and3A_182, %broadcast_in_dim3A_184, %broadcast_in_dim3A_185 : vector<16xi1>, vector<16xi32>
    %add3A_187 = arith.addi %get3A_175, %select_n3A_186 : vector<16xi32>
    %swap3A_188 = arith.constant 0 : index
    %swap3A_189 = tpu.vector_load %arg8[%swap3A_188] {strides = array<i32>} : memref<2048xi32, #tpu.memory_space<vmem>>, vector<16xi32>,
    tpu.vector_store %arg8[%swap3A_188], %add3A_187 {strides = array<i32>} : memref<2048xi32, #tpu.memory_space<vmem>>, vector<16xi32>,
    %broadcast_in_dim3A_190 = arith.constant 1 : i32
    %broadcast_in_dim3A_191 = vector.broadcast %broadcast_in_dim3A_190 : i32 to vector<16xi32>
    %mul3A_192 = vector.broadcast %sub3A_153 : i32 to vector<16xi32>
    %mul3A_193 = arith.muli %broadcast_in_dim3A_191, %mul3A_192 : vector<16xi32>
    %sub3A_194 = arith.subi %mul3A_193, %sub3A_155 : vector<16xi32>
    %broadcast_in_dim3A_195 = arith.constant 2147483647 : i32
    %broadcast_in_dim3A_196 = vector.broadcast %broadcast_in_dim3A_195 : i32 to vector<16xi32>
    %broadcast_in_dim3A_197 = arith.constant 0 : i32
    %broadcast_in_dim3A_198 = vector.broadcast %broadcast_in_dim3A_197 : i32 to vector<16xi32>
    %broadcast_in_dim3A_199 = arith.constant 0 : i32
    %broadcast_in_dim3A_200 = vector.broadcast %broadcast_in_dim3A_199 : i32 to vector<16xi32>
    %broadcast_in_dim3A_201 = arith.constant 2147483647 : i32
    %broadcast_in_dim3A_202 = vector.broadcast %broadcast_in_dim3A_201 : i32 to vector<16xi32>
    %parallel_loop3A_203 = arith.constant 0 : i32
    %parallel_loop3A_204 = arith.constant 1024 : i32
    %parallel_loop3A_205 = arith.constant 16 : i32
    %parallel_loop3A_206 = arith.constant 0 : i32
    %parallel_loop3A_207:4 = scf.for %parallel_loop3A_302 = %parallel_loop3A_203 to %parallel_loop3A_204 step %parallel_loop3A_205 iter_args(%parallel_loop3A_303 = %broadcast_in_dim3A_198, %parallel_loop3A_304 = %broadcast_in_dim3A_200, %parallel_loop3A_305 = %broadcast_in_dim3A_202, %parallel_loop3A_306 = %parallel_loop3A_206) -> (vector<16xi32>, vector<16xi32>, vector<16xi32>, i32)  : i32 {
      %parallel_loop3A_307 = arith.index_cast %parallel_loop3A_302 : i32 to index
      %parallel_loop3A_308 = tpu.vector_load %arg8[%parallel_loop3A_307] {strides = array<i32>} : memref<2048xi32, #tpu.memory_space<vmem>>, vector<16xi32>,
      %parallel_loop3A_309 = arith.constant true
      %parallel_loop3A_310 = vector.broadcast %parallel_loop3A_309 : i1 to vector<16xi1>
      %parallel_loop3A_311 = tpu.scan <sum>, %parallel_loop3A_308 masked %parallel_loop3A_310 : vector<16xi32>, vector<16xi1> -> vector<16xi32>
      %parallel_loop3A_312 = arith.subi %parallel_loop3A_311, %parallel_loop3A_308 : vector<16xi32>
      %parallel_loop3A_313 = vector.broadcast %parallel_loop3A_306 : i32 to vector<16xi32>
      %parallel_loop3A_314 = arith.addi %parallel_loop3A_312, %parallel_loop3A_313 : vector<16xi32>
      %parallel_loop3A_315 = arith.cmpi sle, %parallel_loop3A_314, %sub3A_194 : vector<16xi32>
      %parallel_loop3A_316 = tpu.all_reduce %parallel_loop3A_315 {dim = 0 : i64, kind = #tpu.reduction_kind<sum>} : vector<16xi1> -> vector<16xi32>
      %parallel_loop3A_317 = arith.addi %parallel_loop3A_303, %parallel_loop3A_316 : vector<16xi32>
      %parallel_loop3A_318 = arith.constant 0 : i32
      %parallel_loop3A_319 = vector.broadcast %parallel_loop3A_318 : i32 to vector<16xi32>
      %parallel_loop3A_320 = arith.select %parallel_loop3A_315, %parallel_loop3A_314, %parallel_loop3A_319 : vector<16xi1>, vector<16xi32>
      %parallel_loop3A_321 = arith.maxsi %parallel_loop3A_304, %parallel_loop3A_320 : vector<16xi32>
      %parallel_loop3A_322 = arith.select %parallel_loop3A_315, %broadcast_in_dim3A_196, %parallel_loop3A_314 : vector<16xi1>, vector<16xi32>
      %parallel_loop3A_323 = arith.minsi %parallel_loop3A_305, %parallel_loop3A_322 : vector<16xi32>
      %parallel_loop3A_324 = vector.extract_strided_slice %parallel_loop3A_311 {offsets = [15], sizes = [1], strides = [1]} : vector<16xi32> to vector<1xi32>
      %parallel_loop3A_325 = vector.extract %parallel_loop3A_324[0] : i32 from vector<1xi32>
      %parallel_loop3A_326 = arith.addi %parallel_loop3A_306, %parallel_loop3A_325 : i32
      scf.yield %parallel_loop3A_317, %parallel_loop3A_321, %parallel_loop3A_323, %parallel_loop3A_326 : vector<16xi32>, vector<16xi32>, vector<16xi32>, i32
    } {sc.loop_unroll_factor = 2 : i64, sc.parallel_access}
    %sub3A_208 = arith.constant 1 : i32
    %sub3A_209 = vector.broadcast %sub3A_208 : i32 to vector<16xi32>
    %sub3A_210 = arith.subi %parallel_loop3A_207#0, %sub3A_209 : vector<16xi32>
    %reduce_max3A_211 = arith.constant true
    %reduce_max3A_212 = vector.broadcast %reduce_max3A_211 : i1 to vector<16xi1>
    %reduce_max3A_213 = arith.constant -2147483648 : i32
    %reduce_max3A_214 = vector.broadcast %reduce_max3A_213 : i32 to vector<16xi32>
    %reduce_max3A_215 = arith.xori %parallel_loop3A_207#1, %reduce_max3A_214 : vector<16xi32>
    %reduce_max3A_216 = tpu.scan <max>, %reduce_max3A_215 masked %reduce_max3A_212 : vector<16xi32>, vector<16xi1> -> vector<16xi32>
    %reduce_max3A_217 = arith.xori %reduce_max3A_216, %reduce_max3A_214 : vector<16xi32>
    %reduce_max3A_218 = vector.extract %reduce_max3A_217[15] : i32 from vector<16xi32>
    %reduce_min3A_219 = arith.constant true
    %reduce_min3A_220 = vector.broadcast %reduce_min3A_219 : i1 to vector<16xi1>
    %reduce_min3A_221 = arith.constant -2147483648 : i32
    %reduce_min3A_222 = vector.broadcast %reduce_min3A_221 : i32 to vector<16xi32>
    %reduce_min3A_223 = arith.xori %parallel_loop3A_207#2, %reduce_min3A_222 : vector<16xi32>
    %reduce_min3A_224 = tpu.scan <min>, %reduce_min3A_223 masked %reduce_min3A_220 : vector<16xi32>, vector<16xi1> -> vector<16xi32>
    %reduce_min3A_225 = arith.xori %reduce_min3A_224, %reduce_min3A_222 : vector<16xi32>
    %reduce_min3A_226 = vector.extract %reduce_min3A_225[15] : i32 from vector<16xi32>
    %min3A_227 = arith.minsi %reduce_min3A_226, %parallel_loop3A_207#3 : i32
    %sub3A_228 = arith.subi %parallel_loop3A_207#3, %min3A_227 : i32
    %sub3A_229 = arith.subi %min3A_227, %reduce_max3A_218 : i32
    %shift_left3A_230 = arith.constant 10 : i32
    %shift_left3A_231 = vector.broadcast %shift_left3A_230 : i32 to vector<16xi32>
    %shift_left3A_232 = arith.shli %or3A, %shift_left3A_231 : vector<16xi32>
    %or3A_233 = arith.ori %shift_left3A_232, %sub3A_210 : vector<16xi32>
    %min3A_234 = arith.constant 2139095039 : i32
    %min3A_235 = vector.broadcast %min3A_234 : i32 to vector<16xi32>
    %min3A_236 = arith.minsi %or3A_233, %min3A_235 : vector<16xi32>
    %bitcast3A = vector.bitcast %min3A_236 : vector<16xi32> to vector<16xf32>
    %broadcast_in_dim3A_237 = arith.constant 0.000000e+00 : f32
    %broadcast_in_dim3A_238 = vector.broadcast %broadcast_in_dim3A_237 : f32 to vector<16xf32>
    %parallel_loop3A_239 = arith.constant 0 : i32
    %parallel_loop3A_240 = arith.constant 1024 : i32
    %parallel_loop3A_241 = arith.constant 16 : i32
    %parallel_loop3A_242 = scf.for %parallel_loop3A_302 = %parallel_loop3A_239 to %parallel_loop3A_240 step %parallel_loop3A_241 iter_args(%parallel_loop3A_303 = %broadcast_in_dim3A_238) -> (vector<16xf32>)  : i32 {
      %parallel_loop3A_304 = arith.index_cast %parallel_loop3A_302 : i32 to index
      %parallel_loop3A_305 = tpu.vector_load %arg9[%parallel_loop3A_304] {strides = array<i32>} : memref<1024xf32, #tpu.memory_space<vmem>>, vector<16xf32>,
      %parallel_loop3A_306 = vector.broadcast %parallel_loop3A_302 : i32 to vector<16xi32>
      %parallel_loop3A_307 = arith.addi %iota3A, %parallel_loop3A_306 : vector<16xi32>
      %parallel_loop3A_308 = arith.cmpi sgt, %parallel_loop3A_307, %sub3A_210 : vector<16xi32>
      %parallel_loop3A_309 = arith.constant 0.000000e+00 : f32
      %parallel_loop3A_310 = vector.broadcast %parallel_loop3A_309 : f32 to vector<16xf32>
      %parallel_loop3A_311 = arith.select %parallel_loop3A_308, %parallel_loop3A_305, %parallel_loop3A_310 : vector<16xi1>, vector<16xf32>
      %parallel_loop3A_312 = arith.addf %parallel_loop3A_303, %parallel_loop3A_311 : vector<16xf32>
      scf.yield %parallel_loop3A_312 : vector<16xf32>
    } {sc.loop_unroll_factor = 2 : i64, sc.parallel_access}
    %add3A_243 = arith.addi %sub3A_86, %sub3A_152 : i32
    %add3A_244 = arith.addi %add3A_243, %sub3A_228 : i32
    %convert_element_type3A_245 = arith.sitofp %add3A_244 : i32 to f32
    %reduce_sum3A_246 = arith.constant true
    %reduce_sum3A_247 = vector.broadcast %reduce_sum3A_246 : i1 to vector<16xi1>
    %reduce_sum3A_248 = tpu.scan <sum>, %parallel_loop3A_173 masked %reduce_sum3A_247 : vector<16xf32>, vector<16xi1> -> vector<16xf32>
    %reduce_sum3A_249 = vector.extract %reduce_sum3A_248[15] : f32 from vector<16xf32>
    %reduce_sum3A_250 = arith.constant true
    %reduce_sum3A_251 = vector.broadcast %reduce_sum3A_250 : i1 to vector<16xi1>
    %reduce_sum3A_252 = tpu.scan <sum>, %parallel_loop3A_242 masked %reduce_sum3A_251 : vector<16xf32>, vector<16xi1> -> vector<16xf32>
    %reduce_sum3A_253 = vector.extract %reduce_sum3A_252[15] : f32 from vector<16xf32>
    %add3A_254 = arith.addf %reduce_sum3A_249, %reduce_sum3A_253 : f32
    %reduce_sum3A_255 = arith.constant true
    %reduce_sum3A_256 = vector.broadcast %reduce_sum3A_255 : i1 to vector<16xi1>
    %reduce_sum3A_257 = tpu.scan <sum>, %parallel_loop3A_33#1 masked %reduce_sum3A_256 : vector<16xf32>, vector<16xi1> -> vector<16xf32>
    %reduce_sum3A_258 = vector.extract %reduce_sum3A_257[15] : f32 from vector<16xf32>
    %convert_element_type3A_259 = arith.sitofp %mul3A_52 : vector<16xi32> to vector<16xf32>
    %add3A_260 = arith.addf %reduce_sum3A_258, %add3A_254 : f32
    %sub3A_261 = vector.broadcast %convert_element_type3A_245 : f32 to vector<16xf32>
    %sub3A_262 = arith.subf %convert_element_type3A_259, %sub3A_261 : vector<16xf32>
    %mul3A_263 = arith.mulf %sub3A_262, %bitcast3A : vector<16xf32>
    %add3A_264 = vector.broadcast %add3A_260 : f32 to vector<16xf32>
    %add3A_265 = arith.addf %add3A_264, %mul3A_263 : vector<16xf32>
    %add3A_266 = arith.addf %reduce_sum3A_36, %convert_element_type3A_245 : f32
    %sub3A_267 = vector.broadcast %convert_element_type3A_245 : f32 to vector<16xf32>
    %sub3A_268 = arith.subf %convert_element_type3A_259, %sub3A_267 : vector<16xf32>
    %gt3A = arith.constant 0.000000e+00 : f32
    %gt3A_269 = vector.broadcast %gt3A : f32 to vector<16xf32>
    %gt3A_270 = arith.cmpf ogt, %bitcast3A, %gt3A_269 : vector<16xf32>
    %jit3A_271 = arith.constant 1.000000e+00 : f32
    %jit3A_272 = arith.constant 0.000000e+00 : f32
    %broadcast_in_dim3A_273 = vector.broadcast %jit3A_271 : f32 to vector<16xf32>
    %broadcast_in_dim3A_274 = vector.broadcast %jit3A_272 : f32 to vector<16xf32>
    %select_n3A_275 = arith.select %gt3A_270, %broadcast_in_dim3A_273, %broadcast_in_dim3A_274 : vector<16xi1>, vector<16xf32>
    %mul3A_276 = arith.mulf %sub3A_268, %select_n3A_275 : vector<16xf32>
    %add3A_277 = vector.broadcast %add3A_266 : f32 to vector<16xf32>
    %add3A_278 = arith.addf %add3A_277, %mul3A_276 : vector<16xf32>
    %eq3A_279 = arith.constant 0 : i32
    %eq3A_280 = vector.broadcast %eq3A_279 : i32 to vector<16xi32>
    %eq3A_281 = arith.cmpi eq, %iota3A, %eq3A_280 : vector<16xi32>
    %eq3A_282 = arith.constant 1 : i32
    %eq3A_283 = vector.broadcast %eq3A_282 : i32 to vector<16xi32>
    %eq3A_284 = arith.cmpi eq, %iota3A, %eq3A_283 : vector<16xi32>
    %eq3A_285 = arith.constant 2 : i32
    %eq3A_286 = vector.broadcast %eq3A_285 : i32 to vector<16xi32>
    %eq3A_287 = arith.cmpi eq, %iota3A, %eq3A_286 : vector<16xi32>
    %eq3A_288 = arith.constant 3 : i32
    %eq3A_289 = vector.broadcast %eq3A_288 : i32 to vector<16xi32>
    %eq3A_290 = arith.cmpi eq, %iota3A, %eq3A_289 : vector<16xi32>
    %jit3A_291 = arith.constant 0.000000e+00 : f32
    %broadcast_in_dim3A_292 = vector.broadcast %jit3A_291 : f32 to vector<16xf32>
    %select_n3A_293 = arith.select %eq3A_290, %add3A_278, %broadcast_in_dim3A_292 : vector<16xi1>, vector<16xf32>
    %select_n3A_294 = arith.select %eq3A_287, %add3A_265, %select_n3A_293 : vector<16xi1>, vector<16xf32>
    %broadcast_in_dim3A_295 = vector.broadcast %reduce_sum3A_36 : f32 to vector<16xf32>
    %select_n3A_296 = arith.select %eq3A_284, %broadcast_in_dim3A_295, %select_n3A_294 : vector<16xi1>, vector<16xf32>
    %jit3A_297 = arith.constant 0.000000e+00 : f32
    %broadcast_in_dim3A_298 = vector.broadcast %jit3A_297 : f32 to vector<16xf32>
    %select_n3A_299 = arith.select %eq3A_281, %broadcast_in_dim3A_298, %select_n3A_296 : vector<16xi1>, vector<16xf32>
    %swap3A_300 = arith.constant 0 : index
    %swap3A_301 = tpu.vector_load %arg10[%swap3A_300] {strides = array<i32>} : memref<16xf32, #tpu.memory_space<vmem>>, vector<16xf32>,
    tpu.vector_store %arg10[%swap3A_300], %select_n3A_299 {strides = array<i32>} : memref<16xf32, #tpu.memory_space<vmem>>, vector<16xf32>,
    "tpu.region"() ({
      %run_scoped3A = tpu.sem_alloc : memref<!tpu.dma_semaphore, #tpu.memory_space<semaphore_mem>>
      %dma_start3A_302 = arith.constant 0 : i32
      %dma_start3A_303 = tpu.memref_slice %arg4[%add3A, %dma_start3A_302] : memref<32x16xf32, #tpu.memory_space<hbm>> -> memref<1x16xf32, #tpu.memory_space<hbm>>
      %dma_start3A_304 = tpu.memref_squeeze %dma_start3A_303 : memref<1x16xf32, #tpu.memory_space<hbm>> -> memref<16xf32, #tpu.memory_space<hbm>>
      %dma_start3A_305 = arith.constant 0 : i32
      %dma_start3A_306 = tpu.memref_slice %arg4[%add3A, %dma_start3A_305] : memref<32x16xf32, #tpu.memory_space<hbm>> -> memref<1x16xf32, #tpu.memory_space<hbm>>
      %dma_start3A_307 = tpu.memref_squeeze %dma_start3A_306 : memref<1x16xf32, #tpu.memory_space<hbm>> -> memref<16xf32, #tpu.memory_space<hbm>>
      tpu.enqueue_dma source(%arg10 : memref<16xf32, #tpu.memory_space<vmem>>) target(%dma_start3A_307 : memref<16xf32, #tpu.memory_space<hbm>>) target_semaphore(%run_scoped3A : memref<!tpu.dma_semaphore, #tpu.memory_space<semaphore_mem>>)
      %dma_wait3A_308 = arith.constant 0 : i32
      %dma_wait3A_309 = tpu.memref_slice %arg4[%add3A, %dma_wait3A_308] : memref<32x16xf32, #tpu.memory_space<hbm>> -> memref<1x16xf32, #tpu.memory_space<hbm>>
      %dma_wait3A_310 = tpu.memref_squeeze %dma_wait3A_309 : memref<1x16xf32, #tpu.memory_space<hbm>> -> memref<16xf32, #tpu.memory_space<hbm>>
      %dma_wait3A_311 = arith.constant 0 : i32
      %dma_wait3A_312 = tpu.memref_slice %arg4[%add3A, %dma_wait3A_311] : memref<32x16xf32, #tpu.memory_space<hbm>> -> memref<1x16xf32, #tpu.memory_space<hbm>>
      %dma_wait3A_313 = tpu.memref_squeeze %dma_wait3A_312 : memref<1x16xf32, #tpu.memory_space<hbm>> -> memref<16xf32, #tpu.memory_space<hbm>>
      tpu.wait_dma2 semaphore(%run_scoped3A : memref<!tpu.dma_semaphore, #tpu.memory_space<semaphore_mem>>) src(%arg10 : memref<16xf32, #tpu.memory_space<vmem>>) dst(%dma_wait3A_313 : memref<16xf32, #tpu.memory_space<hbm>>)
      tpu.yield
    }) : () -> ()
    return
  }
}

module attributes {stable_mosaic.version = 14 : i64} {
  func.func @_loc_body(%arg0: i32, %arg1: memref<1x32x8732xf32, #tpu.memory_space<vmem>>, %arg2: memref<1x32x8732xf32, #tpu.memory_space<vmem>>, %arg3: memref<32x8732xi32, #tpu.memory_space<vmem>>, %arg4: memref<1x8xf32, #tpu.memory_space<vmem>>, %arg5: memref<1x1xf32, #tpu.memory_space<smem>>) attributes {dimension_semantics = [#tpu.dimension_semantics<arbitrary>], iteration_bounds = array<i64: 4>, scalar_prefetch = 0 : i64, scratch_operands = 1 : i64, tpu.core_type = #tpu.core_type<tc>, window_params = [{transform_indices = @transform_0, window_bounds = array<i64: 1, 32, 8732>}, {transform_indices = @transform_1, window_bounds = array<i64: 1, 32, 8732>}, {pipeline_mode = #tpu.pipeline_mode<synchronous>, transform_indices = @transform_2, window_bounds = array<i64: 32, 8732>}, {pipeline_mode = #tpu.pipeline_mode<synchronous>, transform_indices = @transform_3, window_bounds = array<i64: 1, 8>}]} {
    %get3A = arith.constant 0 : index
    %get3A_0 = arith.constant 0 : index
    %get3A_1 = vector.load %arg3[%get3A, %get3A_0] : memref<32x8732xi32, #tpu.memory_space<vmem>>, vector<32x8732xi32>
    %gt3A = arith.constant 0 : i32
    %gt3A_2 = vector.broadcast %gt3A : i32 to vector<32x8732xi32>
    %gt3A_3 = arith.cmpi sgt, %get3A_1, %gt3A_2 : vector<32x8732xi32>
    %convert_element_type3A = arith.extui %gt3A_3 : vector<32x8732xi1> to vector<32x8732xi32>
    %convert_element_type3A_4 = arith.sitofp %convert_element_type3A : vector<32x8732xi32> to vector<32x8732xf32>
    %get3A_5 = arith.constant 0 : index
    %get3A_6 = arith.constant 0 : index
    %get3A_7 = arith.constant 0 : index
    %get3A_8 = vector.load %arg1[%get3A_5, %get3A_6, %get3A_7] : memref<1x32x8732xf32, #tpu.memory_space<vmem>>, vector<1x32x8732xf32>
    %get3A_9 = vector.shape_cast %get3A_8 : vector<1x32x8732xf32> to vector<32x8732xf32>
    %get3A_10 = arith.constant 0 : index
    %get3A_11 = arith.constant 0 : index
    %get3A_12 = arith.constant 0 : index
    %get3A_13 = vector.load %arg2[%get3A_10, %get3A_11, %get3A_12] : memref<1x32x8732xf32, #tpu.memory_space<vmem>>, vector<1x32x8732xf32>
    %get3A_14 = vector.shape_cast %get3A_13 : vector<1x32x8732xf32> to vector<32x8732xf32>
    %sub3A = arith.subf %get3A_9, %get3A_14 : vector<32x8732xf32>
    %abs3A = math.absf %sub3A : vector<32x8732xf32>
    %lt3A = arith.constant 1.000000e+00 : f32
    %lt3A_15 = vector.broadcast %lt3A : f32 to vector<32x8732xf32>
    %lt3A_16 = arith.cmpf olt, %abs3A, %lt3A_15 : vector<32x8732xf32>
    %mul3A = arith.constant 5.000000e-01 : f32
    %mul3A_17 = vector.broadcast %mul3A : f32 to vector<32x8732xf32>
    %mul3A_18 = arith.mulf %mul3A_17, %sub3A : vector<32x8732xf32>
    %mul3A_19 = arith.mulf %mul3A_18, %sub3A : vector<32x8732xf32>
    %sub3A_20 = arith.constant 5.000000e-01 : f32
    %sub3A_21 = vector.broadcast %sub3A_20 : f32 to vector<32x8732xf32>
    %sub3A_22 = arith.subf %abs3A, %sub3A_21 : vector<32x8732xf32>
    %select_n3A = arith.select %lt3A_16, %mul3A_19, %sub3A_22 : vector<32x8732xi1>, vector<32x8732xf32>
    %mul3A_23 = arith.mulf %select_n3A, %convert_element_type3A_4 : vector<32x8732xf32>
    %reduce_sum3A = vector.shape_cast %mul3A_23 : vector<32x8732xf32> to vector<1x32x8732xf32>
    %reduce_sum3A_24 = arith.constant dense<0.000000e+00> : vector<1xf32>
    %reduce_sum3A_25 = vector.multi_reduction <add>, %reduce_sum3A, %reduce_sum3A_24 [1, 2] : vector<1x32x8732xf32> to vector<1xf32>
    %reduce_sum3A_26 = vector.shape_cast %reduce_sum3A_25 : vector<1xf32> to vector<1x1x1xf32>
    %reduce_sum3A_27 = vector.extract %reduce_sum3A_26[0, 0, 0] : f32 from vector<1x1x1xf32>
    %eq3A = arith.constant 0 : i32
    %eq3A_28 = arith.cmpi eq, %arg0, %eq3A : i32
    %convert_element_type3A_29 = arith.extui %eq3A_28 : i1 to i32
    %cond3A = arith.constant 0 : i32
    %cond3A_30 = arith.cmpi ne, %convert_element_type3A_29, %cond3A : i32
    scf.if %cond3A_30 {
      %swap3A_41 = arith.constant 0.000000e+00 : f32
      %swap3A_42 = arith.constant 0 : index
      %swap3A_43 = arith.constant 0 : index
      %swap3A_44 = memref.load %arg5[%swap3A_42, %swap3A_43] : memref<1x1xf32, #tpu.memory_space<smem>>
      memref.store %swap3A_41, %arg5[%swap3A_42, %swap3A_43] : memref<1x1xf32, #tpu.memory_space<smem>>
    } else {
    }
    %get3A_31 = arith.constant 0 : index
    %get3A_32 = arith.constant 0 : index
    %get3A_33 = memref.load %arg5[%get3A_31, %get3A_32] : memref<1x1xf32, #tpu.memory_space<smem>>
    %add3A = arith.addf %get3A_33, %reduce_sum3A_27 : f32
    %swap3A = arith.constant 0 : index
    %swap3A_34 = arith.constant 0 : index
    %swap3A_35 = memref.load %arg5[%swap3A, %swap3A_34] : memref<1x1xf32, #tpu.memory_space<smem>>
    memref.store %add3A, %arg5[%swap3A, %swap3A_34] : memref<1x1xf32, #tpu.memory_space<smem>>
    %eq3A_36 = arith.constant 3 : i32
    %eq3A_37 = arith.cmpi eq, %arg0, %eq3A_36 : i32
    %convert_element_type3A_38 = arith.extui %eq3A_37 : i1 to i32
    %cond3A_39 = arith.constant 0 : i32
    %cond3A_40 = arith.cmpi ne, %convert_element_type3A_38, %cond3A_39 : i32
    scf.if %cond3A_40 {
      %iota3A = tpu.iota {dimensions = array<i32: 1>} : vector<1x8xi32>
      %eq3A_41 = arith.constant 0 : i32
      %eq3A_42 = vector.broadcast %eq3A_41 : i32 to vector<1x8xi32>
      %eq3A_43 = arith.cmpi eq, %iota3A, %eq3A_42 : vector<1x8xi32>
      %get3A_44 = arith.constant 0 : index
      %get3A_45 = arith.constant 0 : index
      %get3A_46 = memref.load %arg5[%get3A_44, %get3A_45] : memref<1x1xf32, #tpu.memory_space<smem>>
      %jit3A = arith.constant 0.000000e+00 : f32
      %broadcast_in_dim3A = vector.broadcast %get3A_46 : f32 to vector<1x8xf32>
      %broadcast_in_dim3A_47 = vector.broadcast %jit3A : f32 to vector<1x8xf32>
      %select_n3A_48 = arith.select %eq3A_43, %broadcast_in_dim3A, %broadcast_in_dim3A_47 : vector<1x8xi1>, vector<1x8xf32>
      %swap3A_49 = arith.constant 0 : index
      %swap3A_50 = arith.constant 0 : index
      %swap3A_51 = vector.load %arg4[%swap3A_49, %swap3A_50] : memref<1x8xf32, #tpu.memory_space<vmem>>, vector<1x8xf32>
      tpu.vector_store %arg4[%swap3A_49, %swap3A_50], %select_n3A_48 {strides = array<i32>} : memref<1x8xf32, #tpu.memory_space<vmem>>, vector<1x8xf32>,
    } else {
    }
    return
  }
  func.func @transform_0(%arg0: i32) -> (i32, i32, i32) {
    %c0_i32 = arith.constant 0 : i32
    %c0_i32_0 = arith.constant 0 : i32
    %c0_i32_1 = arith.constant 0 : i32
    return %arg0, %c0_i32, %c0_i32_0 : i32, i32, i32
  }
  func.func @transform_1(%arg0: i32) -> (i32, i32, i32) {
    %c0_i32 = arith.constant 0 : i32
    %c0_i32_0 = arith.constant 0 : i32
    %c0_i32_1 = arith.constant 0 : i32
    return %arg0, %c0_i32, %c0_i32_0 : i32, i32, i32
  }
  func.func @transform_2(%arg0: i32) -> (i32, i32) {
    %c0_i32 = arith.constant 0 : i32
    %c0_i32_0 = arith.constant 0 : i32
    %c0_i32_1 = arith.constant 0 : i32
    return %c0_i32, %c0_i32_0 : i32, i32
  }
  func.func @transform_3(%arg0: i32) -> (i32, i32) {
    %c0_i32 = arith.constant 0 : i32
    %c0_i32_0 = arith.constant 0 : i32
    %c0_i32_1 = arith.constant 0 : i32
    return %c0_i32, %c0_i32_0 : i32, i32
  }
}

module attributes {stable_mosaic.version = 14 : i64} {
  func.func @_fin_body(%arg0: memref<32x16xf32, #tpu.memory_space<vmem>>, %arg1: memref<1x8xf32, #tpu.memory_space<vmem>>, %arg2: memref<1x8xf32, #tpu.memory_space<vmem>>) attributes {dimension_semantics = [], scalar_prefetch = 0 : i64, scratch_operands = 0 : i64, tpu.core_type = #tpu.core_type<tc>} {
    %iota3A = tpu.iota {dimensions = array<i32: 1>} : vector<1x8xi32>
    %eq3A = arith.constant 0 : i32
    %eq3A_0 = vector.broadcast %eq3A : i32 to vector<1x8xi32>
    %eq3A_1 = arith.cmpi eq, %iota3A, %eq3A_0 : vector<1x8xi32>
    %get3A = arith.constant 0 : index
    %get3A_2 = arith.constant 0 : index
    %get3A_3 = vector.load %arg1[%get3A, %get3A_2] : memref<1x8xf32, #tpu.memory_space<vmem>>, vector<1x8xf32>
    %jit3A = arith.constant 0.000000e+00 : f32
    %broadcast_in_dim3A = vector.broadcast %jit3A : f32 to vector<1x8xf32>
    %select_n3A = arith.select %eq3A_1, %get3A_3, %broadcast_in_dim3A : vector<1x8xi1>, vector<1x8xf32>
    %reduce_sum3A = vector.shape_cast %select_n3A : vector<1x8xf32> to vector<1x1x8xf32>
    %reduce_sum3A_4 = arith.constant dense<0.000000e+00> : vector<1xf32>
    %reduce_sum3A_5 = vector.multi_reduction <add>, %reduce_sum3A, %reduce_sum3A_4 [1, 2] : vector<1x1x8xf32> to vector<1xf32>
    %reduce_sum3A_6 = vector.shape_cast %reduce_sum3A_5 : vector<1xf32> to vector<1x1x1xf32>
    %reduce_sum3A_7 = vector.extract %reduce_sum3A_6[0, 0, 0] : f32 from vector<1x1x1xf32>
    %get3A_8 = arith.constant 0 : index
    %get3A_9 = arith.constant 0 : index
    %get3A_10 = vector.load %arg0[%get3A_8, %get3A_9] : memref<32x16xf32, #tpu.memory_space<vmem>>, vector<32x16xf32>
    %reduce_sum3A_11 = arith.constant dense<0.000000e+00> : vector<16xf32>
    %reduce_sum3A_12 = vector.multi_reduction <add>, %get3A_10, %reduce_sum3A_11 [0] : vector<32x16xf32> to vector<16xf32>
    %broadcast_in_dim3A_13 = vector.shape_cast %reduce_sum3A_12 : vector<16xf32> to vector<1x16xf32>
    %iota3A_14 = tpu.iota {dimensions = array<i32: 1>} : vector<1x16xi32>
    %eq3A_15 = arith.constant 1 : i32
    %eq3A_16 = vector.broadcast %eq3A_15 : i32 to vector<1x16xi32>
    %eq3A_17 = arith.cmpi eq, %iota3A_14, %eq3A_16 : vector<1x16xi32>
    %jit3A_18 = arith.constant 0.000000e+00 : f32
    %broadcast_in_dim3A_19 = vector.broadcast %jit3A_18 : f32 to vector<1x16xf32>
    %select_n3A_20 = arith.select %eq3A_17, %broadcast_in_dim3A_13, %broadcast_in_dim3A_19 : vector<1x16xi1>, vector<1x16xf32>
    %reduce_sum3A_21 = vector.shape_cast %select_n3A_20 : vector<1x16xf32> to vector<1x1x16xf32>
    %reduce_sum3A_22 = arith.constant dense<0.000000e+00> : vector<1xf32>
    %reduce_sum3A_23 = vector.multi_reduction <add>, %reduce_sum3A_21, %reduce_sum3A_22 [1, 2] : vector<1x1x16xf32> to vector<1xf32>
    %reduce_sum3A_24 = vector.shape_cast %reduce_sum3A_23 : vector<1xf32> to vector<1x1x1xf32>
    %reduce_sum3A_25 = vector.extract %reduce_sum3A_24[0, 0, 0] : f32 from vector<1x1x1xf32>
    %eq3A_26 = arith.constant 2 : i32
    %eq3A_27 = vector.broadcast %eq3A_26 : i32 to vector<1x16xi32>
    %eq3A_28 = arith.cmpi eq, %iota3A_14, %eq3A_27 : vector<1x16xi32>
    %jit3A_29 = arith.constant 0.000000e+00 : f32
    %broadcast_in_dim3A_30 = vector.broadcast %jit3A_29 : f32 to vector<1x16xf32>
    %select_n3A_31 = arith.select %eq3A_28, %broadcast_in_dim3A_13, %broadcast_in_dim3A_30 : vector<1x16xi1>, vector<1x16xf32>
    %reduce_sum3A_32 = vector.shape_cast %select_n3A_31 : vector<1x16xf32> to vector<1x1x16xf32>
    %reduce_sum3A_33 = arith.constant dense<0.000000e+00> : vector<1xf32>
    %reduce_sum3A_34 = vector.multi_reduction <add>, %reduce_sum3A_32, %reduce_sum3A_33 [1, 2] : vector<1x1x16xf32> to vector<1xf32>
    %reduce_sum3A_35 = vector.shape_cast %reduce_sum3A_34 : vector<1xf32> to vector<1x1x1xf32>
    %reduce_sum3A_36 = vector.extract %reduce_sum3A_35[0, 0, 0] : f32 from vector<1x1x1xf32>
    %eq3A_37 = arith.constant 3 : i32
    %eq3A_38 = vector.broadcast %eq3A_37 : i32 to vector<1x16xi32>
    %eq3A_39 = arith.cmpi eq, %iota3A_14, %eq3A_38 : vector<1x16xi32>
    %jit3A_40 = arith.constant 0.000000e+00 : f32
    %broadcast_in_dim3A_41 = vector.broadcast %jit3A_40 : f32 to vector<1x16xf32>
    %select_n3A_42 = arith.select %eq3A_39, %broadcast_in_dim3A_13, %broadcast_in_dim3A_41 : vector<1x16xi1>, vector<1x16xf32>
    %reduce_sum3A_43 = vector.shape_cast %select_n3A_42 : vector<1x16xf32> to vector<1x1x16xf32>
    %reduce_sum3A_44 = arith.constant dense<0.000000e+00> : vector<1xf32>
    %reduce_sum3A_45 = vector.multi_reduction <add>, %reduce_sum3A_43, %reduce_sum3A_44 [1, 2] : vector<1x1x16xf32> to vector<1xf32>
    %reduce_sum3A_46 = vector.shape_cast %reduce_sum3A_45 : vector<1xf32> to vector<1x1x1xf32>
    %reduce_sum3A_47 = vector.extract %reduce_sum3A_46[0, 0, 0] : f32 from vector<1x1x1xf32>
    %mul3A = arith.constant 4.000000e+00 : f32
    %mul3A_48 = arith.mulf %mul3A, %reduce_sum3A_25 : f32
    %div3A = arith.divf %reduce_sum3A_7, %mul3A_48 : f32
    %div3A_49 = arith.divf %div3A, %reduce_sum3A_25 : f32
    %div3A_50 = arith.divf %reduce_sum3A_36, %reduce_sum3A_47 : f32
    %div3A_51 = arith.divf %div3A_50, %reduce_sum3A_25 : f32
    %iota3A_52 = tpu.iota {dimensions = array<i32: 1>} : vector<1x8xi32>
    %eq3A_53 = arith.constant 0 : i32
    %eq3A_54 = vector.broadcast %eq3A_53 : i32 to vector<1x8xi32>
    %eq3A_55 = arith.cmpi eq, %iota3A_52, %eq3A_54 : vector<1x8xi32>
    %eq3A_56 = arith.constant 1 : i32
    %eq3A_57 = vector.broadcast %eq3A_56 : i32 to vector<1x8xi32>
    %eq3A_58 = arith.cmpi eq, %iota3A_52, %eq3A_57 : vector<1x8xi32>
    %jit3A_59 = arith.constant 0.000000e+00 : f32
    %broadcast_in_dim3A_60 = vector.broadcast %div3A_51 : f32 to vector<1x8xf32>
    %broadcast_in_dim3A_61 = vector.broadcast %jit3A_59 : f32 to vector<1x8xf32>
    %select_n3A_62 = arith.select %eq3A_58, %broadcast_in_dim3A_60, %broadcast_in_dim3A_61 : vector<1x8xi1>, vector<1x8xf32>
    %broadcast_in_dim3A_63 = vector.broadcast %div3A_49 : f32 to vector<1x8xf32>
    %select_n3A_64 = arith.select %eq3A_55, %broadcast_in_dim3A_63, %select_n3A_62 : vector<1x8xi1>, vector<1x8xf32>
    %swap3A = arith.constant 0 : index
    %swap3A_65 = arith.constant 0 : index
    %swap3A_66 = vector.load %arg2[%swap3A, %swap3A_65] : memref<1x8xf32, #tpu.memory_space<vmem>>, vector<1x8xf32>
    tpu.vector_store %arg2[%swap3A, %swap3A_65], %select_n3A_64 {strides = array<i32>} : memref<1x8xf32, #tpu.memory_space<vmem>>, vector<1x8xf32>,
    return
  }
}

</mosaic_0001>

<sc_bundles>
// kernel: kernel.5.cloned.1.call-start
scs
__scs_entry_jumppad:
0x0: {  	(pc) =	sbr.rel $0x88, $3  }
0x1: {  	(tag) =	ssettag $0x0;
	lr =	simm.s32 $0x1  }
0x2: {  	[smem:$0x3F9D] =	sst lr;
	_ =	strace $0xD0000000  }
0x3: {  	_ = 	snop  }
0x4: {  	_ = 	snop  }
0x5: {  	_ = 	snop  }
0x6: {  	_ = 	snop  }
0x7: {  	_ = 	snop  }
__scs_overlays_trampoline_lowered:
0x8: {  	[smem:$0x3FAC] =	sst s0  }
0x9: {  	[smem:$0x3FAD] =	sst s1  }
0xa: {  	[smem:$0x3FAE] =	sst s2  }
0xb: {  	[smem:$0x3FAF] =	sst s3  }
0xc: {  	[smem:$0x3FB0] =	sst s4  }
0xd: {  	[smem:$0x3FB1] =	sst s5  }
0xe: {  	[smem:$0x3FB2] =	sst s6  }
0xf: {  	[smem:$0x3FB3] =	sst s7  }
0x10: {  	[smem:$0x3FB4] =	sst s8  }
0x11: {  	[smem:$0x3FB5] =	sst s9;
	s0 =	simm.s32 @!p0 $0x0  }
0x12: {  	s1 =	sld [smem:$0x3F9B];
	s0 =	simm.s32 @p0 $0x1  }
0x13: {  	[smem:$0x3FB6] =	sst s0;
	s0 =	simm.s32 @!p1 $0x0  }
0x14: {  	s2 =	sld [smem:$0x3F9A];
	s0 =	simm.s32 @p1 $0x1  }
0x15: {  	[smem:$0x3FB7] =	sst s0;
	s0 =	simm.s32 @!p2 $0x0  }
0x16: {  	s3 =	sld [smem:$0x3FDB];
	s0 =	simm.s32 @p2 $0x1  }
0x17: {  	s4 =	simm.s32 $0x1BF5;
	[smem:$0x3FB9] =	sst s0  }
0x18: {  	s0 =	sld [smem:$0x3F9C];
	_ =	swait.ge [sflag:s4], $0x0  }
0x19: {  	s7 =	sld [smem:$0x3F9D]  }
0x1a: {  	s8 =	sadd.s32 $0xFFFFE003, lr  }
0x1b: {  	s9 =	sadd.s32 $0xFFFFFEF7, lr;
	s5 =	simm.s32 $0xFFFFFFFF;
	p2 =	slt.u32 s8, $0xFFFFF086  }
0x1c: {  	p1 =	slt.u32 s9, $0xF7A;
	s5 =	simm.s32 @!p2 $0x0  }
0x1d: {  	s5 =	simm.s32 @p1 $0x1;
	p0 =	seq.s32 s7, s2  }
0x1e: {  	s7 =	smul.u32 @!p0 $0xF7A, s2;
	p2 =	seq.s32 @!p0 s5, $0x0  }
0x1f: {  	s9 =	smul.u32 $0xF7A, s1;
	s8 =	simm.s32 @!p0 $0x1BF5;
	p2 =	por !p2, p0  }
0x20: {  	[sflag:s8] =	ssyncset.s32 @!p0 $0xFFFFF086;
	s6 =	sadd.s32 @!p0 s3, s7;
	s7 =	simm.s32 @!p0 $0x108  }
0x21: {  	s3 =	sadd.s32 s3, s9;
	s6 =	sadd.s32 @!p0 $0x88, s6;
	s7 =	simm.s32 @p2 $0x1082  }
0x22: {  	[simem:s7], [sflag:s8] =	dma.local @!p0 [hbm:s6], $0xF7A  }
0x23: {  	s9 =	sor.u32 $0xD0000000, s2;
	s6 =	simm.s32 $0x108;
	_ =	swait.ge @!p0 [sflag:s8], $0x0  }
0x24: {  	s3 =	sadd.s32 $0x88, s3;
	s6 =	simm.s32 @!p1 $0x1082;
	[sflag:s4] =	ssyncset.s32 $0xFFFFF086  }
0x25: {  	[simem:s6], [sflag:s4] =	dma.local [hbm:s3], $0xF7A  }
0x26: {  	[smem:$0x3F9D] =	sst s1;
	(tag) =	ssettag s2;
	_ =	strace s9  }
0x27: {  	s1 =	sld [smem:$0x3FAD]  }
0x28: {  	s2 =	sld [smem:$0x3FAE]  }
0x29: {  	s4 =	sld [smem:$0x3FB0]  }
0x2a: {  	p0 =	seq.s32 s5, $0x0;
	s5 =	sld [smem:$0x3FB1]  }
0x2b: {  	s6 =	sld [smem:$0x3FB2]  }
0x2c: {  	s7 =	sld [smem:$0x3FB3]  }
0x2d: {  	s3 =	simm.s32 $0x108;
	s8 =	sld [smem:$0x3FB4]  }
0x2e: {  	s3 =	simm.s32 @!p0 $0x1082;
	s9 =	sld [smem:$0x3FB5]  }
0x2f: {  	lr =	sadd.s32 s0, s3;
	s0 =	sld [smem:$0x3FAC]  }
0x30: {  	s3 =	sld [smem:$0x3FAF]  }
0x31: {  	[smem:$0x3FB8] =	sst s10  }
0x32: {  	s10 =	sld [smem:$0x3FB6];
	_ =	sdelay $0x3  }
0x33: {  	p0 =	seq.s32 s10, $0x1;
	s10 =	sld [smem:$0x3FB8];
	_ =	sdelay $0x3  }
0x34: {  	[smem:$0x3FB8] =	sst s10  }
0x35: {  	s10 =	sld [smem:$0x3FB7];
	_ =	sdelay $0x3  }
0x36: {  	p1 =	seq.s32 s10, $0x1;
	s10 =	sld [smem:$0x3FB8];
	_ =	sdelay $0x3  }
0x37: {  	[smem:$0x3FB8] =	sst s10  }
0x38: {  	s10 =	sld [smem:$0x3FB9]  }
0x39: {  	_ = 	snop;
	(pc) =	sbr.ind lr, $3  }
0x3a: {  	_ = 	snop  }
0x3b: {  	_ = 	snop  }
0x3c: {  	p2 =	seq.s32 s10, $0x1;
	s10 =	sld [smem:$0x3FB8]  }
0x3d: {  	_ =	shalt  }
0x3e: {  	_ =	shalt  }
0x3f: {  	_ =	shalt  }
0x40: {  	_ =	shalt  }
0x41: {  	_ =	shalt  }
0x42: {  	_ =	shalt  }
0x43: {  	_ =	shalt  }
0x44: {  	_ =	shalt  }
0x45: {  	_ =	shalt  }
0x46: {  	_ =	shalt  }
0x47: {  	_ =	shalt  }
0x48: {  	_ =	shalt  }
0x49: {  	_ =	shalt  }
0x4a: {  	_ =	shalt  }
0x4b: {  	_ =	shalt  }
0x4c: {  	_ =	shalt  }
0x4d: {  	_ =	shalt  }
0x4e: {  	_ =	shalt  }
0x4f: {  	_ =	shalt  }
0x50: {  	_ =	shalt  }
0x51: {  	_ =	shalt  }
0x52: {  	_ =	shalt  }
0x53: {  	_ =	shalt  }
0x54: {  	_ =	shalt  }
0x55: {  	_ =	shalt  }
0x56: {  	_ =	shalt  }
0x57: {  	_ =	shalt  }
0x58: {  	_ =	shalt  }
0x59: {  	_ =	shalt  }
0x5a: {  	_ =	shalt  }
0x5b: {  	_ =	shalt  }
0x5c: {  	_ =	shalt  }
0x5d: {  	_ =	shalt  }
0x5e: {  	_ =	shalt  }
0x5f: {  	_ =	shalt  }
0x60: {  	_ =	shalt  }
0x61: {  	_ =	shalt  }
0x62: {  	_ =	shalt  }
0x63: {  	_ =	shalt  }
0x64: {  	_ =	shalt  }
0x65: {  	_ =	shalt  }
0x66: {  	_ =	shalt  }
0x67: {  	_ =	shalt  }
0x68: {  	_ =	shalt  }
0x69: {  	_ =	shalt  }
0x6a: {  	_ =	shalt  }
0x6b: {  	_ =	shalt  }
0x6c: {  	_ =	shalt  }
0x6d: {  	_ =	shalt  }
0x6e: {  	_ =	shalt  }
0x6f: {  	_ =	shalt  }
0x70: {  	_ =	shalt  }
0x71: {  	_ =	shalt  }
0x72: {  	_ =	shalt  }
0x73: {  	_ =	shalt  }
0x74: {  	_ =	shalt  }
0x75: {  	_ =	shalt  }
0x76: {  	_ =	shalt  }
0x77: {  	_ =	shalt  }
0x78: {  	_ =	shalt  }
0x79: {  	_ =	shalt  }
0x7a: {  	_ =	shalt  }
0x7b: {  	_ =	shalt  }
0x7c: {  	_ =	shalt  }
0x7d: {  	_ =	shalt  }
0x7e: {  	_ =	shalt  }
0x7f: {  	_ =	shalt  }
0x80: {  	_ =	shalt  }
0x81: {  	_ =	shalt  }
0x82: {  	_ =	shalt  }
0x83: {  	_ =	shalt  }
0x84: {  	_ =	shalt  }
0x85: {  	_ =	shalt  }
0x86: {  	_ =	shalt  }
0x87: {  	_ =	shalt  }
.Lfunc_end0:
.L_simem_size_0:
called_computation_lowered:
.L_overlay_start_0:
0x88: {  	s2 =	sld [smem:$0x3FD9]  }
0x89: {  	s3 =	sld [smem:$0x3FFE];
	_ =	sdelay $0x1  }
0x8a: {  	s1 =	srdreg.scid  }
0x8b: {  	s0 =	sand.u32 $0x1, s1  }
0x8c: {  	s16 =	sshll.u32 s0, $0xA;
	s2 =	sadd.s32 s3, s2  }
0x8d: {  	s2 =	sadd.s32 s2, s16  }
0x8e: {  	[smem:$0x3FC4] =	sst s2  }
0x8f: {  	_ = 	snop  }
0x90: {  	(tm) =	ssettm $0x1  }
0x91: {  	s17 =	sld [smem:$0x3FFB];
	_ =	sdelay $0x3  }
0x92: {  	_ =	strace s17  }
0x93: {  	s2 =	sld [smem:$0x3FFC];
	_ =	sdelay $0x3  }
0x94: {  	_ =	strace s2  }
0x95: {  	s2 =	sld [smem:$0x3FFD];
	_ =	sdelay $0x3  }
0x96: {  	_ =	strace s2  }
0x97: {  	_ =	strace $0x8FFFFFFF  }
0x98: {  	s18 =	sld [smem:$0x3FDB];
	_ =	sdelay $0x1  }
0x99: {  	s19 =	simm.s32 $_scs_section_size  }
0x9a: {  	s4 =	simm.s32 $_size__tile_overlayer_lowered;
	s5 =	simm.s32 $_tile_overlayer_lowered  }
0x9b: {  	s22 =	simm.s32 $0x1BFF;
	s21 =	sshll.u32 s5, $0x1;
	s2 =	sadd.s32 s19, s18  }
0x9c: {  	s6 =	simm.s32 $0x0;
	s20 =	sshll.u32 s4, $0x1;
	s4 =	sadd.s32 s21, s2  }
0x9d: {  	[timem:s6], [sflag:s22] =	dma.local [hbm:s4], s20  }
0x9e: {  	_ =	swait.ge [sflag:s22], s20  }
0x9f: {  	s3 =	ssub.s32 $0x0, s20;
	[sflag:s22] =	ssyncset.done $0x0  }
0xa0: {  	[sflag:s22] =	ssyncadd.s32 s3;
	_ =	sdelay $0x1  }
0xa1: {  	s23 =	simm.s32 $0x1B8B  }
0xa2: {  	_ =	swait.ge [sflag:s23], $0x1  }
0xa3: {  	[sflag:s23] =	ssyncset.done $0x0  }
0xa4: {  	s25 =	simm.s32 $0x1B8E;
	s24 =	sld [smem:$0x3FFE];
	[sflag:s23] =	ssyncadd.s32 $0xFFFFFFFF  }
0xa5: {  	s26 =	simm.s32 $execute0_lowered;
	[smem:$0x3FD2] =	sst s25  }
0xa6: {  	s4 =	sshll.u32 s26, $0x1;
	_ =	strace $0x80000046;
	[dreg:$0x1] =	wrdreg $0xFFFFFFFF  }
0xa7: {  	s28 =	simm.s32 $_size_execute0_lowered;
	s2 =	sadd.s32 s2, s4;
	[dreg:$0x0] =	wrdreg $0x0  }
0xa8: {  	s4 =	sshll.u32 s28, $0x1;
	[dreg:$0x2] =	wrdreg s2  }
0xa9: {  	[dreg:$0x3] =	wrdreg s4  }
0xaa: {  	[dreg:$0x4] =	wrdreg $0xC0  }
0xab: {  	_ =	task [dreg:s6], $0x5FFFF  }
0xac: {  	[dreg:$0x1] =	wrdreg $0xFFFFFFFF  }
0xad: {  	[dreg:$0x0] =	wrdreg $0x60  }
0xae: {  	[dreg:$0x2] =	wrdreg s24  }
0xaf: {  	[dreg:$0x3] =	wrdreg $0x9  }
0xb0: {  	_ =	task.clear_ibuf [dreg:s6], $0x4FFFF;
	_ =	strace $0x90000046  }
0xb1: {  	s29 =	simm.s32 $0x9;
	_ =	strace $0x80000048  }
0xb2: {  	_ =	swait.ge [sflag:s29], $0x1  }
0xb3: {  	[sflag:s29] =	ssyncadd.s32 $0xFFFFFFFF  }
0xb4: {  	_ =	strace $0x90000048  }
0xb5: {  	_ =	sfence  }
0xb6: {  	s30 =	sld [smem:$0x0];
	_ =	sdelay $0x2  }
0xb7: {  	s31 =	sshll.u32 s1, $0xD;
	s1 =	sshrl.u32 s1, $0x2  }
0xb8: {  	s3 =	sand.u32 $0x4000, s31;
	s1 =	sadd.s32 s1, s30  }
0xb9: {  	s0 =	sor.u32 s3, s0;
	s1 =	sshll.u32 s1, $0x11  }
0xba: {  	s0 =	sor.u32 s1, s0  }
0xbb: {  	s0 =	sadd.s32 $0x8F2B, s0  }
0xbc: {  	[sflag:s0] =	ssyncadd.remote.s32 $0x1  }
0xbd: {  	_ =	sfence.sel $0xFFFF  }
0xbe: {  	[dreg:$0x0] =	wrdreg $0xFFFFFFFF;
	(pc) =	sbr.abs _section_cstart, $3  }
0xbf: {  	[dreg:$0x1] =	wrdreg $0xFFFFFFFF  }
0xc0: {  	_ =	task.clear_ibuf [dreg:s6], $0x2FFFF;
	_ =	strace $0x9FFFFFFF  }
0xc1: {  	(tm) =	ssettm $0x7FFFFFFF  }
tec
execute0_lowered:
.L_overlay_start_1:
0x0: {  	(tag) =	ssettag $0x1  }
0x1: {  	s3 =	rddreg [dreg:$0x0]  }
0x2: {  	s0 =	rddreg [dreg:$0x1]  }
0x3: {  	s2 =	simm.s32 $0x0;
	s4 =	srdreg.scid;
	s1 =	stileid.u32  }
0x4: {  	s9 =	simm.s32 $0x2280;
	s10 =	simm.s32 $0x1;
	s11 =	simm.s32 $0x2  }
0x5: {  	s12 =	simm.s32 $0x6780;
	s13 =	simm.s32 $0x6F80;
	s14 =	simm.s32 $0x7380  }
0x6: {  	s15 =	simm.s32 $0x3;
	s16 =	simm.s32 $0x0;
	s4 =	sand.u32 $0x1, s4  }
0x7: {  	s5 =	sshrl.u32 s1, $0x2;
	s6 =	sshll.u32 s1, $0x8;
	[smem:$0x7FF] =	sst s2  }
0x8: {  	s7 =	sshll.u32 s4, $0x7;
	s6 =	sand.u32 $0x300, s6;
	s8 =	smul.u32 $0x11400, s5  }
0x9: {  	s5 =	sshll.u32 s5, $0xA;
	s4 =	ssub.s32 $0x2, s4;
	s6 =	sor.u32 s7, s6  }
0xa: {  	_ =	strace $0x80000047;
	s30 =	sshrl.u32 s4, $0x1;
	s7 =	sor.u32 s8, s6  }
0xb: {  	s5 =	sor.u32 s5, s6;
	s31 =	ssub.s32 s4, s30;
	s29 =	sshrl.u32 s7, $0x3  }
0xc: {  	v0 =	vimm.s32 $0x0;
	v1 =	vimm.f32 $0.0e+00;
	s8 =	simm.s32 $0x400;
	s5 =	sshrl.u32 s5, $0x3;
	s6 =	sadd.s32 s29, s3  }
0xd: {  	v2 =	vimm.s32 $0x1;
	vm1 =	vmmov $0x1;
	v3 =	vlaneseq.u32;
	s7 =	simm.s32 $0x80;
	s5 =	sadd.s32 s5, s3;
	s3 =	sadd.s32 $0x1000, s6  }
0xe: {  	vm2 =	vcmask $0x3F10;
	vm3 =	vcmask $0x3F0C;
	vm4 =	vcmask $0x3F08;
	s4 =	sadd.s32 $0x9A00, s6;
	s5 =	sadd.s32 $0x12400, s5;
	s6 =	smax.u32 s31, $0x1  }
.LBB2_1:
0xf: {  	[tilespmem:s2], [sflag:$0x1] =	stream.strided.gather [hbm4b:s3+s7], $0x2280, s8, s7, $0x38;
	[tilespmem:$0x7400] =	vst v63  }
0x10: {  	s17 =	simm.s32 $0x67A0  }
0x11: {  	[tilespmem:s9], [sflag:$0x2] =	stream.strided.gather [hbm4b:s4+s7], $0x2280, s8, s7, $0x38;
	[tilespmem:$0x7400] =	vst v63  }
0x12: {  	[tilespmem:s17+$0xFFFFFFE0] =	vst v0  }
0x13: {  	[tilespmem:s17+$0x10] =	vst v0  }
0x14: {  	s18 =	simm.s32 $0x0;
	[tilespmem:s17+$0x0] =	vst v0  }
.LBB2_2:
0x15: {  	s18 =	sadd.s32 $0x40, s18  }
0x16: {  	[tilespmem:s17+$0xFFFFFFF0] =	vst v0;
	s17 =	sadd.s32 $0x40, s17;
	p0 =	slt.u32 s18, $0x7C0  }
.Ltmp0:
0x17: {  	[tilespmem:s17+$0xFFFFFFE0] =	vst v0;
	(pc) =	sbr.rel @p0 .LBB2_2-.Ltmp0, $3  }
0x18: {  	_ =	sdelay $0x1  }
0x19: {  	[tilespmem:s17+$0x10] =	vst v0  }
0x1a: {  	[tilespmem:s17+$0x0] =	vst v0  }
0x1b: {  	[tilespmem:s17+$0xFFFFFFF0] =	vst v0  }
0x1c: {  	_ =	swait.ge [sflag:s10], $0x2280  }
0x1d: {  	[sflag:s10] =	ssyncset.done $0x0  }
0x1e: {  	[sflag:s10] =	ssyncadd.s32 $0xFFFFDD80  }
0x1f: {  	_ =	swait.ge [sflag:s11], $0x2280  }
0x20: {  	[sflag:s11] =	ssyncset.done $0x0  }
0x21: {  	s29 =	simm.s32 $0x20;
	[sflag:s11] =	ssyncadd.s32 $0xFFFFDD80  }
0x22: {  	v8 =	vld [tilespmem:s29+$0xFFFFFFE0];
	_ =	sdelay $0x1  }
0x23: {  	v9 =	vld [tilespmem:s29+$0xFFFFFFF0]  }
0x24: {  	v10 =	vld [tilespmem:s29+$0x0];
	_ =	sdelay $0x1  }
0x25: {  	v11 =	vld [tilespmem:s29+$0x10];
	v4 =	vand.u32 $0x7FFFFFFF, v8  }
0x26: {  	v4 =	vsub.f32 $0.0e+00, v4  }
0x27: {  	v5 =	vand.u32 $0x7FFFFFFF, v9  }
0x28: {  	v6 =	vand.u32 $0x7FFFFFFF, v10;
	v5 =	vsub.f32 $0.0e+00, v5;
	v4 =	vmul.f32 $1.442695020e+00, v4  }
0x29: {  	v6 =	vsub.f32 $0.0e+00, v6  }
0x2a: {  	v7 =	vand.u32 $0x7FFFFFFF, v11;
	v5 =	vmul.f32 $1.442695020e+00, v5;
	(erf) = vpow2.f32 v4  }
0x2b: {  	v6 =	vmul.f32 $1.442695020e+00, v6;
	v4 =	vsub.f32 $0.0e+00, v7  }
0x2c: {  	(erf) = vpow2.f32 v5  }
0x2d: {  	v4 =	vmul.f32 $1.442695020e+00, v4;
	(erf) = vpow2.f32 v6;
	_ =	sdelay $0x1  }
0x2e: {  	(erf) = vpow2.f32 v4;
	_ =	sdelay $0x3  }
0x2f: {  	v12 =	vpop (erf)  }
0x30: {  	v4 =	vmul.f32 $5.186003630e-03, v12  }
0x31: {  	s30 =	simm.s32 $0x22A0;
	v13 =	vpop (erf)  }
0x32: {  	v17 =	vld [tilespmem:s30+$0x0];
	v5 =	vmul.f32 $5.186003630e-03, v13;
	v14 =	vpop (erf);
	v4 =	vadd.f32 $-2.921026760e-02, v4  }
0x33: {  	v15 =	vimm.f32 $0.0e+00;
	v19 =	vld [tilespmem:s30+$0x10];
	v16 =	vmax.f32 v9, $0.0e+00;
	v7 =	vmul.f32 $5.186003630e-03, v14  }
0x34: {  	v21 =	vld [tilespmem:s30+$0xFFFFFFE0];
	v18 =	vmax.f32 v10, $0.0e+00;
	v5 =	vadd.f32 $-2.921026760e-02, v5;
	v20 =	vpop (erf);
	v4 =	vmul.f32 v4, v12  }
0x35: {  	v23 =	vmax.f32 v11, $0.0e+00;
	v22 =	vadd.f32 $-2.921026760e-02, v7;
	v24 =	vmul.f32 $5.186003630e-03, v20  }
0x36: {  	v25 =	vmax.f32 v8, $0.0e+00;
	v27 =	vmul.f32 v5, v13;
	v26 =	vadd.f32 $7.754038270e-02, v4  }
0x37: {  	vm6 =	vgt.s32 v17, $0x0;
	v22 =	vmul.f32 v22, v14;
	v24 =	vadd.f32 $-2.921026760e-02, v24  }
0x38: {  	vm7 =	vgt.s32 v19, $0x0;
	v27 =	vadd.f32 $7.754038270e-02, v27;
	v26 =	vmul.f32 v26, v12  }
0x39: {  	vm8 =	vgt.s32 v21, $0x0;
	v17 =	vadd.f32 $7.754038270e-02, v22;
	v19 =	vmul.f32 v24, v20  }
0x3a: {  	v30 =	vsel vm6, $0x3F800000, v1;
	v22 =	vmul.f32 v27, v13;
	v21 =	vadd.f32 $-1.358394180e-01, v26  }
0x3b: {  	v31 =	vsel vm7, $0x3F800000, v1;
	v6 =	vld [tilespmem:s30+$0xFFFFFFF0];
	v17 =	vmul.f32 v17, v14;
	v19 =	vadd.f32 $7.754038270e-02, v19  }
0x3c: {  	v32 =	vsel vm8, $0x3F800000, v1;
	v22 =	vadd.f32 $-1.358394180e-01, v22;
	v21 =	vmul.f32 v21, v12  }
0x3d: {  	v10 =	vmul.f32 v30, v10;
	v17 =	vadd.f32 $-1.358394180e-01, v17;
	v19 =	vmul.f32 v19, v20  }
0x3e: {  	v11 =	vmul.f32 v31, v11;
	v22 =	vmul.f32 v22, v13;
	v21 =	vadd.f32 $1.905595510e-01, v21  }
0x3f: {  	s31 =	simm.s32 $0x60;
	v8 =	vmul.f32 v32, v8;
	v17 =	vmul.f32 v17, v14;
	v19 =	vadd.f32 $-1.358394180e-01, v19  }
0x40: {  	vm5 =	vgt.s32 v6, $0x0;
	v6 =	vld [tilespmem:s31+$0xFFFFFFE0];
	v22 =	vadd.f32 $1.905595510e-01, v22;
	v21 =	vmul.f32 v21, v12  }
0x41: {  	v8 =	vsub.f32 v25, v8;
	v17 =	vadd.f32 $1.905595510e-01, v17;
	v19 =	vmul.f32 v19, v20  }
0x42: {  	v10 =	vsub.f32 v18, v10;
	v22 =	vmul.f32 v22, v13;
	v21 =	vadd.f32 $-2.482564900e-01, v21  }
0x43: {  	v11 =	vsub.f32 v23, v11;
	v17 =	vmul.f32 v17, v14;
	v19 =	vadd.f32 $1.905595510e-01, v19  }
0x44: {  	v29 =	vsel vm5, $0x3F800000, v1;
	v22 =	vadd.f32 $-2.482564900e-01, v22;
	v21 =	vmul.f32 v21, v12  }
0x45: {  	v28 =	vand.u32 $0x7FFFFFFF, v6;
	v17 =	vadd.f32 $-2.482564900e-01, v17;
	v19 =	vmul.f32 v19, v20  }
0x46: {  	v28 =	vsub.f32 $0.0e+00, v28;
	v7 =	vld [tilespmem:s31+$0xFFFFFFF0];
	v22 =	vmul.f32 v22, v13;
	v21 =	vadd.f32 $3.331601020e-01, v21  }
0x47: {  	v9 =	vmul.f32 v29, v9;
	v5 =	vld [tilespmem:s31+$0x0];
	v17 =	vmul.f32 v17, v14;
	v19 =	vadd.f32 $-2.482564900e-01, v19  }
0x48: {  	v28 =	vmul.f32 $1.442695020e+00, v28;
	v22 =	vadd.f32 $3.331601020e-01, v22;
	v21 =	vmul.f32 v21, v12  }
0x49: {  	v9 =	vsub.f32 v16, v9;
	v4 =	vld [tilespmem:s31+$0x10];
	v17 =	vadd.f32 $3.331601020e-01, v17;
	v19 =	vmul.f32 v19, v20  }
0x4a: {  	(erf) = vpow2.f32 v28;
	v22 =	vmul.f32 v22, v13;
	v21 =	vadd.f32 $-4.999925490e-01, v21  }
0x4b: {  	v24 =	vand.u32 $0x7FFFFFFF, v7;
	v17 =	vmul.f32 v17, v14;
	v19 =	vadd.f32 $3.331601020e-01, v19  }
0x4c: {  	v26 =	vand.u32 $0x7FFFFFFF, v5;
	v22 =	vadd.f32 $-4.999925490e-01, v22;
	v21 =	vmul.f32 v21, v12  }
0x4d: {  	v24 =	vsub.f32 $0.0e+00, v24;
	v17 =	vadd.f32 $-4.999925490e-01, v17;
	v19 =	vmul.f32 v19, v20  }
0x4e: {  	v27 =	vand.u32 $0x7FFFFFFF, v4;
	v22 =	vmul.f32 v22, v13;
	v21 =	vadd.f32 $9.999999400e-01, v21  }
0x4f: {  	v26 =	vsub.f32 $0.0e+00, v26;
	v16 =	vmul.f32 v17, v14;
	v17 =	vadd.f32 $-4.999925490e-01, v19  }
0x50: {  	v27 =	vsub.f32 $0.0e+00, v27;
	v19 =	vadd.f32 $9.999999400e-01, v22;
	v12 =	vmul.f32 v21, v12  }
0x51: {  	v24 =	vmul.f32 $1.442695020e+00, v24;
	v16 =	vadd.f32 $9.999999400e-01, v16;
	v17 =	vmul.f32 v17, v20  }
0x52: {  	v26 =	vmul.f32 $1.442695020e+00, v26;
	v8 =	vadd.f32 v12, v8;
	v12 =	vmul.f32 v19, v13  }
0x53: {  	v27 =	vmul.f32 $1.442695020e+00, v27;
	v13 =	vmul.f32 v16, v14;
	v14 =	vadd.f32 $9.999999400e-01, v17  }
0x54: {  	(erf) = vpow2.f32 v24;
	v16 =	vmul.f32 v8, v32;
	v9 =	vadd.f32 v12, v9  }
0x55: {  	(erf) = vpow2.f32 v26;
	v10 =	vadd.f32 v13, v10;
	v12 =	vmul.f32 v14, v20  }
0x56: {  	v13 =	vadd.f32 v32, v15;
	v14 =	vadd.f32 v16, v15;
	v15 =	vmul.f32 v9, v29  }
0x57: {  	(erf) = vpow2.f32 v27;
	v16 =	vsel vm8, $0x0, v8;
	v8 =	vadd.f32 v12, v11  }
0x58: {  	v11 =	vadd.f32 v29, v13;
	v13 =	vmul.f32 v10, v30;
	v12 =	vadd.f32 v15, v14  }
0x59: {  	v24 =	vsel vm6, $0x0, v10  }
0x5a: {  	v14 =	vsel vm5, $0x0, v9;
	v9 =	vadd.f32 v30, v11;
	v10 =	vpop (erf);
	v11 =	vadd.f32 v13, v12  }
0x5b: {  	vm6 =	vne.s32 v24, $0x0;
	v12 =	vmul.f32 $5.186003630e-03, v10  }
0x5c: {  	v18 =	vshra.s32 v16, $0x14;
	v15 =	vsel vm7, $0x0, v8;
	v8 =	vmul.f32 v8, v31  }
0x5d: {  	s17 =	simm.s32 $0x4520;
	v19 =	vshra.s32 v24, $0x14;
	vm7 =	vne.s32 v16, $0x0;
	v13 =	vadd.f32 $-2.921026760e-02, v12  }
0x5e: {  	s18 =	simm.s32 $0x22E0;
	[tilespmem:s17+$0xFFFFFFE0] =	vst v16;
	v16 =	vmax.f32 v7, $0.0e+00;
	vm5 =	vne.s32 v14, $0x0;
	v8 =	vadd.f32 v8, v11;
	v11 =	vpop (erf)  }
0x5f: {  	v22 =	vld [tilespmem:s18+$0xFFFFFFF0];
	v17 =	vshra.s32 v14, $0x14;
	vm8 =	vne.s32 v15, $0x0;
	[tilespmem:s17+$0xFFFFFFF0] =	vst v14;
	v21 =	vmul.f32 $5.186003630e-03, v11;
	v12 =	vpop (erf)  }
0x60: {  	v23 =	vld [tilespmem:s18+$0x0];
	v20 =	vshra.s32 v15, $0x14;
	[tilespmem:s17+$0x10] =	vst v15;
	v15 =	vmax.f32 v5, $0.0e+00;
	v14 =	vmul.f32 $5.186003630e-03, v12  }
0x61: {  	v9 =	vadd.f32 v31, v9;
	v26 =	vmul.f32 v13, v10;
	v13 =	vpop (erf);
	v25 =	vadd.f32 $-2.921026760e-02, v21;
	v21 =	vld [tilespmem:s18+$0x10]  }
0x62: {  	s19 =	simm.s32 $0x40;
	s20 =	simm.s32 $0xA0;
	[tilespmem:s17+$0x0] =	vst v24;
	v24 =	vld [tilespmem:s18+$0xFFFFFFE0];
	v28 =	vmul.f32 $5.186003630e-03, v13;
	v27 =	vadd.f32 $-2.921026760e-02, v14;
	v14 =	vmax.f32 v4, $0.0e+00  }
.LBB2_4:
0x63: {  	v29 =	vld [tilespmem:s20+$0xFFFFFFF0];
	v30 =	vmax.f32 v6, $0.0e+00;
	v26 =	vadd.f32 $7.754038270e-02, v26;
	v25 =	vmul.f32 v25, v11  }
0x64: {  	v31 =	vld [tilespmem:s20+$0x0];
	vm9 =	vgt.s32 v22, $0x0;
	v22 =	vmul.f32 v27, v12;
	v27 =	vadd.f32 $-2.921026760e-02, v28  }
0x65: {  	v28 =	vld [tilespmem:s20+$0x10];
	v26 =	vmul.f32 v26, v10;
	v25 =	vadd.f32 $7.754038270e-02, v25;
	vm10 =	vgt.s32 v23, $0x0  }
0x66: {  	v23 =	vld [tilespmem:s20+$0xFFFFFFE0];
	v22 =	vadd.f32 $7.754038270e-02, v22;
	vm11 =	vgt.s32 v21, $0x0;
	v21 =	vmul.f32 v27, v13  }
0x67: {  	vm12 =	vgt.s32 v24, $0x0;
	v24 =	vadd.f32 $-1.358394180e-01, v26;
	v25 =	vmul.f32 v25, v11;
	[tilespmem:v18+s12+$0x0] =	vst.idx.add.s32.msk vm7, v2  }
0x68: {  	v18 =	vand.u32 $0x7FFFFFFF, v29;
	v22 =	vmul.f32 v22, v12;
	v21 =	vadd.f32 $7.754038270e-02, v21;
	[tilespmem:v19+s12+$0x0] =	vst.idx.add.s32.msk vm6, v2  }
0x69: {  	v19 =	vand.u32 $0x7FFFFFFF, v31;
	v24 =	vmul.f32 v24, v10;
	v25 =	vadd.f32 $-1.358394180e-01, v25;
	[tilespmem:v20+s12+$0x0] =	vst.idx.add.s32.msk vm8, v2  }
0x6a: {  	v20 =	vand.u32 $0x7FFFFFFF, v28;
	v22 =	vadd.f32 $-1.358394180e-01, v22;
	v21 =	vmul.f32 v21, v13;
	[tilespmem:v17+s12+$0x0] =	vst.idx.add.s32.msk vm5, v2  }
0x6b: {  	v17 =	vand.u32 $0x7FFFFFFF, v23;
	v24 =	vadd.f32 $1.905595510e-01, v24;
	v25 =	vmul.f32 v25, v11  }
0x6c: {  	v26 =	vsel vm9, $0x3F800000, v1;
	v22 =	vmul.f32 v22, v12;
	v21 =	vadd.f32 $-1.358394180e-01, v21  }
0x6d: {  	v27 =	vsel vm10, $0x3F800000, v1;
	v24 =	vmul.f32 v24, v10;
	v25 =	vadd.f32 $1.905595510e-01, v25  }
0x6e: {  	v32 =	vsel vm11, $0x3F800000, v1;
	v22 =	vadd.f32 $1.905595510e-01, v22;
	v21 =	vmul.f32 v21, v13  }
0x6f: {  	v33 =	vsel vm12, $0x3F800000, v1;
	v24 =	vadd.f32 $-2.482564900e-01, v24;
	v25 =	vmul.f32 v25, v11  }
0x70: {  	v18 =	vsub.f32 $0.0e+00, v18;
	v22 =	vmul.f32 v22, v12;
	v21 =	vadd.f32 $1.905595510e-01, v21  }
0x71: {  	v19 =	vsub.f32 $0.0e+00, v19;
	v24 =	vmul.f32 v24, v10;
	v25 =	vadd.f32 $-2.482564900e-01, v25  }
0x72: {  	v20 =	vsub.f32 $0.0e+00, v20;
	v22 =	vadd.f32 $-2.482564900e-01, v22;
	v21 =	vmul.f32 v21, v13  }
0x73: {  	v17 =	vsub.f32 $0.0e+00, v17;
	v24 =	vadd.f32 $3.331601020e-01, v24;
	v25 =	vmul.f32 v25, v11  }
0x74: {  	v34 =	vmul.f32 v26, v7;
	v7 =	vmovc v29;
	v22 =	vmul.f32 v22, v12;
	v21 =	vadd.f32 $-2.482564900e-01, v21  }
0x75: {  	s19 =	sadd.s32 $0x40, s19;
	v29 =	vmul.f32 v27, v5;
	v5 =	vmovc v31;
	v24 =	vmul.f32 v24, v10;
	v25 =	vadd.f32 $3.331601020e-01, v25  }
0x76: {  	p0 =	slt.u32 s19, $0x21C0;
	v31 =	vmul.f32 v32, v4;
	v4 =	vmovc v28;
	v22 =	vadd.f32 $3.331601020e-01, v22;
	v21 =	vmul.f32 v21, v13  }
0x77: {  	v28 =	vmul.f32 v33, v6;
	v6 =	vmovc v23;
	v24 =	vadd.f32 $-4.999925490e-01, v24;
	v25 =	vmul.f32 v25, v11  }
0x78: {  	v18 =	vmul.f32 $1.442695020e+00, v18;
	v22 =	vmul.f32 v22, v12;
	v21 =	vadd.f32 $3.331601020e-01, v21  }
0x79: {  	v19 =	vmul.f32 $1.442695020e+00, v19;
	v23 =	vmul.f32 v24, v10;
	v24 =	vadd.f32 $-4.999925490e-01, v25  }
0x7a: {  	v20 =	vmul.f32 $1.442695020e+00, v20;
	v22 =	vadd.f32 $-4.999925490e-01, v22;
	v21 =	vmul.f32 v21, v13  }
0x7b: {  	v17 =	vmul.f32 $1.442695020e+00, v17;
	v23 =	vadd.f32 $9.999999400e-01, v23;
	v24 =	vmul.f32 v24, v11  }
0x7c: {  	v16 =	vsub.f32 v16, v34;
	v22 =	vmul.f32 v22, v12;
	v21 =	vadd.f32 $-4.999925490e-01, v21  }
0x7d: {  	v25 =	vsub.f32 v30, v28;
	v10 =	vmul.f32 v23, v10;
	v23 =	vadd.f32 $9.999999400e-01, v24  }
0x7e: {  	v15 =	vsub.f32 v15, v29;
	v22 =	vadd.f32 $9.999999400e-01, v22;
	v21 =	vmul.f32 v21, v13  }
0x7f: {  	(erf) = vpow2.f32 v17;
	v10 =	vadd.f32 v10, v25;
	v11 =	vmul.f32 v23, v11  }
0x80: {  	v14 =	vsub.f32 v14, v31;
	v12 =	vmul.f32 v22, v12;
	v17 =	vadd.f32 $9.999999400e-01, v21  }
0x81: {  	(erf) = vpow2.f32 v18;
	v18 =	vmul.f32 v10, v33;
	v11 =	vadd.f32 v11, v16  }
0x82: {  	(erf) = vpow2.f32 v19;
	v12 =	vadd.f32 v12, v15;
	v13 =	vmul.f32 v17, v13  }
0x83: {  	v9 =	vadd.f32 v33, v9;
	v8 =	vadd.f32 v18, v8;
	v15 =	vmul.f32 v11, v26  }
0x84: {  	s17 =	sadd.s32 $0x40, s17;
	v16 =	vsel vm12, $0x0, v10;
	(erf) = vpow2.f32 v20;
	v10 =	vadd.f32 v13, v14  }
0x85: {  	v9 =	vadd.f32 v26, v9;
	v13 =	vmul.f32 v12, v27;
	[tilespmem:s17+$0xFFFFFFE0] =	vst v16;
	v8 =	vadd.f32 v15, v8  }
0x86: {  	v14 =	vsel vm9, $0x0, v11;
	v15 =	vsel vm10, $0x0, v12;
	v20 =	vsel vm11, $0x0, v10  }
0x87: {  	v9 =	vadd.f32 v27, v9;
	[tilespmem:s17+$0xFFFFFFF0] =	vst v14;
	v8 =	vadd.f32 v13, v8;
	v13 =	vmul.f32 v10, v32  }
0x88: {  	vm7 =	vne.s32 v16, $0x0;
	vm5 =	vne.s32 v14, $0x0;
	vm6 =	vne.s32 v15, $0x0;
	v10 =	vpop (erf);
	[tilespmem:s17+$0x0] =	vst v15  }
0x89: {  	v9 =	vadd.f32 v32, v9;
	v19 =	vmul.f32 $5.186003630e-03, v10;
	[tilespmem:s17+$0x10] =	vst v20;
	v8 =	vadd.f32 v13, v8  }
.Ltmp1:
0x8a: {  	s18 =	sadd.s32 $0x40, s18;
	v18 =	vshra.s32 v16, $0x14;
	v17 =	vshra.s32 v14, $0x14;
	vm8 =	vne.s32 v20, $0x0;
	v11 =	vpop (erf);
	(pc) =	sbr.rel @p0 .LBB2_4-.Ltmp1, $4  }
0x8b: {  	v24 =	vadd.f32 $-2.921026760e-02, v19;
	v22 =	vld [tilespmem:s18+$0xFFFFFFF0];
	v14 =	vmul.f32 $5.186003630e-03, v11;
	v12 =	vpop (erf);
	v19 =	vshra.s32 v15, $0x14  }
0x8c: {  	v16 =	vmax.f32 v7, $0.0e+00;
	v20 =	vshra.s32 v20, $0x14;
	v23 =	vld [tilespmem:s18+$0x0];
	v27 =	vmul.f32 $5.186003630e-03, v12  }
0x8d: {  	v15 =	vmax.f32 v5, $0.0e+00;
	v26 =	vmul.f32 v24, v10;
	v25 =	vadd.f32 $-2.921026760e-02, v14;
	v21 =	vld [tilespmem:s18+$0x10];
	v13 =	vpop (erf)  }
0x8e: {  	s20 =	sadd.s32 $0x40, s20;
	v14 =	vmax.f32 v4, $0.0e+00;
	v24 =	vld [tilespmem:s18+$0xFFFFFFE0];
	v27 =	vadd.f32 $-2.921026760e-02, v27;
	v28 =	vmul.f32 $5.186003630e-03, v13  }
0x8f: {  	v26 =	vadd.f32 $7.754038270e-02, v26  }
0x90: {  	v25 =	vmul.f32 v25, v11;
	v28 =	vadd.f32 $-2.921026760e-02, v28  }
0x91: {  	v27 =	vmul.f32 v27, v12;
	v26 =	vmul.f32 v26, v10  }
0x92: {  	v25 =	vadd.f32 $7.754038270e-02, v25;
	v28 =	vmul.f32 v28, v13  }
0x93: {  	v27 =	vadd.f32 $7.754038270e-02, v27;
	v26 =	vadd.f32 $-1.358394180e-01, v26  }
0x94: {  	v25 =	vmul.f32 v25, v11;
	v28 =	vadd.f32 $7.754038270e-02, v28  }
0x95: {  	v27 =	vmul.f32 v27, v12;
	v26 =	vmul.f32 v26, v10  }
0x96: {  	v25 =	vadd.f32 $-1.358394180e-01, v25;
	v28 =	vmul.f32 v28, v13  }
0x97: {  	v27 =	vadd.f32 $-1.358394180e-01, v27;
	v26 =	vadd.f32 $1.905595510e-01, v26  }
0x98: {  	v25 =	vmul.f32 v25, v11;
	v28 =	vadd.f32 $-1.358394180e-01, v28  }
0x99: {  	v27 =	vmul.f32 v27, v12;
	v26 =	vmul.f32 v26, v10  }
0x9a: {  	v25 =	vadd.f32 $1.905595510e-01, v25;
	v28 =	vmul.f32 v28, v13  }
0x9b: {  	v27 =	vadd.f32 $1.905595510e-01, v27;
	v26 =	vadd.f32 $-2.482564900e-01, v26  }
0x9c: {  	v25 =	vmul.f32 v25, v11;
	v28 =	vadd.f32 $1.905595510e-01, v28  }
0x9d: {  	v29 =	vmax.f32 v6, $0.0e+00;
	v27 =	vmul.f32 v27, v12;
	v26 =	vmul.f32 v26, v10  }
0x9e: {  	vm9 =	vgt.s32 v22, $0x0;
	v42 =	vadd.f32 $-2.482564900e-01, v25;
	v28 =	vmul.f32 v28, v13  }
0x9f: {  	v47 =	vsel vm9, $0x3F800000, v1;
	v43 =	vadd.f32 $-2.482564900e-01, v27;
	v44 =	vadd.f32 $3.331601020e-01, v26  }
0xa0: {  	v7 =	vmul.f32 v47, v7;
	v22 =	vmul.f32 v42, v11;
	v45 =	vadd.f32 $-2.482564900e-01, v28  }
0xa1: {  	vm10 =	vgt.s32 v23, $0x0;
	v46 =	vmul.f32 v43, v12;
	v23 =	vmul.f32 v44, v10  }
0xa2: {  	v48 =	vsel vm10, $0x3F800000, v1;
	v22 =	vadd.f32 $3.331601020e-01, v22;
	v26 =	vmul.f32 v45, v13  }
0xa3: {  	vm11 =	vgt.s32 v24, $0x0;
	v24 =	vadd.f32 $3.331601020e-01, v46;
	v23 =	vadd.f32 $-4.999925490e-01, v23  }
0xa4: {  	v5 =	vmul.f32 v48, v5;
	v22 =	vmul.f32 v22, v11;
	v26 =	vadd.f32 $3.331601020e-01, v26  }
0xa5: {  	vm12 =	vgt.s32 v21, $0x0;
	v24 =	vmul.f32 v24, v12;
	v23 =	vmul.f32 v23, v10  }
0xa6: {  	v49 =	vsel vm11, $0x3F800000, v1;
	v22 =	vadd.f32 $-4.999925490e-01, v22;
	v26 =	vmul.f32 v26, v13  }
0xa7: {  	v6 =	vmul.f32 v49, v6;
	v24 =	vadd.f32 $-4.999925490e-01, v24;
	v23 =	vadd.f32 $9.999999400e-01, v23  }
0xa8: {  	v52 =	vsel vm12, $0x3F800000, v1;
	v22 =	vmul.f32 v22, v11;
	v26 =	vadd.f32 $-4.999925490e-01, v26  }
0xa9: {  	v6 =	vsub.f32 v29, v6;
	v24 =	vmul.f32 v24, v12;
	v50 =	vmul.f32 v23, v10  }
0xaa: {  	v7 =	vsub.f32 v16, v7;
	v22 =	vadd.f32 $9.999999400e-01, v22;
	v51 =	vmul.f32 v26, v13  }
0xab: {  	v4 =	vmul.f32 v52, v4;
	v24 =	vadd.f32 $9.999999400e-01, v24;
	v6 =	vadd.f32 v50, v6  }
0xac: {  	v5 =	vsub.f32 v15, v5;
	v54 =	vmul.f32 v22, v11;
	v53 =	vadd.f32 $9.999999400e-01, v51  }
0xad: {  	v4 =	vsub.f32 v14, v4;
	v55 =	vmul.f32 v24, v12;
	v57 =	vmul.f32 v6, v49  }
0xae: {  	[tilespmem:v18+s12+$0x0] =	vst.idx.add.s32.msk vm7, v2;
	v7 =	vadd.f32 v54, v7;
	v6 =	vsel vm11, $0x0, v6;
	v56 =	vmul.f32 v53, v13  }
0xaf: {  	[tilespmem:v19+s12+$0x0] =	vst.idx.add.s32.msk vm6, v2;
	s17 =	sadd.s32 $0x40, s17;
	v9 =	vadd.f32 v49, v9;
	v5 =	vadd.f32 v55, v5;
	vm6 =	vne.s32 v6, $0x0  }
0xb0: {  	v60 =	vshra.s32 v6, $0x14;
	[tilespmem:s17+$0xFFFFFFE0] =	vst v6;
	v6 =	vsel vm9, $0x0, v7;
	v4 =	vadd.f32 v56, v4  }
0xb1: {  	[tilespmem:v17+s12+$0x0] =	vst.idx.add.s32.msk vm5, v2;
	v8 =	vadd.f32 v57, v8;
	v58 =	vsel vm10, $0x0, v5;
	vm15 =	vne.s32 v6, $0x0  }
0xb2: {  	[tilespmem:s17+$0xFFFFFFF0] =	vst v6;
	v6 =	vshra.s32 v6, $0x14;
	vm5 =	vne.s32 v58, $0x0;
	v59 =	vsel vm12, $0x0, v4  }
0xb3: {  	[tilespmem:v20+s12+$0x0] =	vst.idx.add.s32.msk vm8, v2;
	v7 =	vmul.f32 v7, v47;
	v61 =	vshra.s32 v58, $0x14;
	vm7 =	vne.s32 v59, $0x0  }
0xb4: {  	v9 =	vadd.f32 v47, v9;
	[tilespmem:s17+$0x0] =	vst v58;
	v62 =	vshra.s32 v59, $0x14  }
0xb5: {  	v5 =	vmul.f32 v5, v48;
	v7 =	vadd.f32 v7, v8;
	[tilespmem:s17+$0x10] =	vst v59  }
0xb6: {  	v63 =	vadd.f32 v48, v9;
	[tilespmem:v60+s12+$0x0] =	vst.idx.add.s32.msk vm6, v2  }
0xb7: {  	v4 =	vmul.f32 v4, v52;
	v7 =	vadd.f32 v5, v7;
	[tilespmem:v6+s12+$0x0] =	vst.idx.add.s32.msk vm15, v2  }
0xb8: {  	s18 =	simm.s32 $0x21F0;
	[tilespmem:v61+s12+$0x0] =	vst.idx.add.s32.msk vm5, v2  }
0xb9: {  	s19 =	simm.s32 $0x6700;
	s20 =	simm.s32 $0x4480;
	s17 =	simm.s32 $0x2200;
	v5 =	vadd.f32 v52, v63;
	v4 =	vadd.f32 v4, v7;
	[tilespmem:v62+s12+$0x0] =	vst.idx.add.s32.msk vm7, v2  }
.LBB2_6:
0xba: {  	v6 =	vld [tilespmem:s17+$0x0];
	_ =	sdelay $0x4  }
0xbb: {  	v7 =	vand.u32 $0x7FFFFFFF, v6  }
0xbc: {  	v7 =	vsub.f32 $0.0e+00, v7;
	_ =	sdelay $0x1  }
0xbd: {  	v7 =	vmul.f32 $1.442695020e+00, v7;
	_ =	sdelay $0x1  }
0xbe: {  	(erf) = vpow2.f32 v7;
	_ =	sdelay $0x8  }
0xbf: {  	v7 =	vpop (erf)  }
0xc0: {  	v8 =	vmul.f32 $5.186003630e-03, v7;
	_ =	sdelay $0x1  }
0xc1: {  	v8 =	vadd.f32 $-2.921026760e-02, v8;
	_ =	sdelay $0x1  }
0xc2: {  	v8 =	vmul.f32 v8, v7;
	_ =	sdelay $0x1  }
0xc3: {  	v8 =	vadd.f32 $7.754038270e-02, v8;
	_ =	sdelay $0x1  }
0xc4: {  	v8 =	vmul.f32 v8, v7;
	_ =	sdelay $0x1  }
0xc5: {  	v8 =	vadd.f32 $-1.358394180e-01, v8;
	_ =	sdelay $0x1  }
0xc6: {  	v8 =	vmul.f32 v8, v7;
	_ =	sdelay $0x1  }
0xc7: {  	v8 =	vadd.f32 $1.905595510e-01, v8;
	_ =	sdelay $0x1  }
0xc8: {  	v8 =	vmul.f32 v8, v7;
	_ =	sdelay $0x1  }
0xc9: {  	v8 =	vadd.f32 $-2.482564900e-01, v8;
	_ =	sdelay $0x1  }
0xca: {  	v8 =	vmul.f32 v8, v7;
	_ =	sdelay $0x1  }
0xcb: {  	v8 =	vadd.f32 $3.331601020e-01, v8  }
0xcc: {  	v9 =	vld [tilespmem:s20+$0x0]  }
0xcd: {  	v8 =	vmul.f32 v8, v7;
	_ =	sdelay $0x1  }
0xce: {  	v8 =	vadd.f32 $-4.999925490e-01, v8;
	_ =	sdelay $0x1  }
0xcf: {  	vm5 =	vgt.s32 v9, $0x0;
	v8 =	vmul.f32 v8, v7  }
0xd0: {  	v9 =	vsel vm5, $0x3F800000, v1  }
0xd1: {  	v10 =	vmul.f32 v9, v6;
	v8 =	vadd.f32 $9.999999400e-01, v8  }
0xd2: {  	v6 =	vmax.f32 v6, $0.0e+00  }
0xd3: {  	v6 =	vsub.f32 v6, v10;
	v7 =	vmul.f32 v8, v7;
	_ =	sdelay $0x1  }
0xd4: {  	v6 =	vadd.f32 v7, v6;
	_ =	sdelay $0x1  }
0xd5: {  	v7 =	vsel vm5, $0x0, v6  }
0xd6: {  	s18 =	sadd.s32 $0x10, s18;
	vm5 =	vne.s32 v7, $0x0  }
0xd7: {  	p0 =	slt.u32 s18, $0x2210;
	v63 =	vshra.s32 v7, $0x14  }
.Ltmp2:
0xd8: {  	_ = 	snop;
	(pc) =	sbr.rel @p0 .LBB2_6-.Ltmp2, $4  }
0xd9: {  	_ = 	snop  }
0xda: {  	v6 =	vmul.f32 v6, v9  }
0xdb: {  	[tilespmem:s19+$0x0] =	vst v7  }
0xdc: {  	s20 =	sadd.s32 $0x10, s20;
	s17 =	sadd.s32 $0x10, s17;
	v5 =	vadd.f32 v9, v5;
	s19 =	sadd.s32 $0x10, s19;
	v4 =	vadd.f32 v6, v4;
	[tilespmem:v63+s12+$0x0] =	vst.idx.add.s32.msk vm5, v2  }
0xdd: {  	_ = 	snop  }
0xde: {  	(xrf2) =	vadd.scan.msk.f32 $0xffff, v5;
	_ =	sdelay $0x9  }
0xdf: {  	v5, _, _ =	vpop (xrf2)  }
0xe0: {  	(v2sf) =	vpush v5, $0xF;
	_ =	sdelay $0xe  }
0xe1: {  	s17 =	spop (v2sf)  }
0xe2: {  	v6 =	vld [tilespmem:$0x6780];
	s18 =	scvt.f32.s32 s17;
	_ =	sdelay $0x1  }
0xe3: {  	s19 =	sadd.s32 $0x4, s18  }
0xe4: {  	vm0 =	vcmask $0x300;
	v7 =	vmov s19  }
0xe5: {  	v8 =	vnsel vm0, $0x0, v7  }
0xe6: {  	v6 =	vadd.s32 v8, v6  }
0xe7: {  	s22 =	simm.s32 $0x6790;
	[tilespmem:$0x6780] =	vst v6  }
0xe8: {  	v8 =	vld [tilespmem:s22+$0xFFFFFFF0];
	_ =	sdelay $0x1  }
0xe9: {  	v10 =	vld [tilespmem:s22+$0x0];
	_ =	sdelay $0x2  }
0xea: {  	(xrf0) =	vadd.scan.msk.s32 $0xffff, v8;
	_ =	sdelay $0x1  }
0xeb: {  	(xrf0) =	vadd.scan.msk.s32 $0xffff, v10  }
0xec: {  	s23 =	simm.s32 $0x67B0  }
0xed: {  	v11 =	vld [tilespmem:s23+$0xFFFFFFF0];
	_ =	sdelay $0x1  }
0xee: {  	v9, _, _ =	vpop (xrf0)  }
0xef: {  	v12 =	vld [tilespmem:s23+$0x0];
	(v2sf) =	vpush v9, $0xF  }
0xf0: {  	v13, _, _ =	vpop (xrf0)  }
0xf1: {  	(xrf0) =	vadd.scan.msk.s32 $0xffff, v11;
	(v2sf) =	vpush v13, $0xF  }
0xf2: {  	s24 =	simm.s32 $0x67D0  }
0xf3: {  	v14 =	vld [tilespmem:s24+$0xFFFFFFF0]  }
0xf4: {  	(xrf0) =	vadd.scan.msk.s32 $0xffff, v12  }
0xf5: {  	v15 =	vld [tilespmem:s24+$0x0]  }
0xf6: {  	s19 =	smul.u32 $0x3, s18  }
0xf7: {  	v16, _, _ =	vpop (xrf0)  }
0xf8: {  	s20 =	simm.s32 $0x67F0;
	p0 =	slt.s32 s19, $0x221C;
	(xrf0) =	vadd.scan.msk.s32 $0xffff, v14;
	(v2sf) =	vpush v16, $0xF  }
0xf9: {  	s19 =	simm.s32 @!p0 $0x221C;
	v19 =	vld [tilespmem:s20+$0xFFFFFFF0]  }
0xfa: {  	s25 =	simm.s32 $0x0;
	v6 =	vmov s19;
	v9 =	vsub.s32 v9, v8;
	v17, _, _ =	vpop (xrf0);
	(xrf0) =	vadd.scan.msk.s32 $0xffff, v15  }
0xfb: {  	v8 =	vsub.s32 $0x2220, v6;
	v18 =	vadd.s32 s25, v9;
	v9 =	vld [tilespmem:s20+$0x0]  }
0xfc: {  	v20 =	vimm.s32 $0x0;
	vm5 =	vle.s32 v18, v8;
	(v2sf) =	vpush v17, $0xF  }
0xfd: {  	v21 =	vimm.s32 $0x7FFFFFFF;
	v10 =	vsub.s32 v13, v10;
	v13 =	vmpcnt.ones.xlane vm5  }
0xfe: {  	vm6 =	vlt.s32 v21, v18;
	v23 =	vnsel vm5, $0x0, v18;
	v22 =	vsub.s32 v17, v12;
	v12, _, _ =	vpop (xrf0);
	(xrf0) =	vadd.scan.msk.s32 $0xffff, v19;
	s26 =	spop (v2sf)  }
0xff: {  	v13 =	vadd.s32 v20, v13;
	v11 =	vsub.s32 v16, v11;
	v16 =	vsel vm6, v21, v18;
	s18 =	sadd.s32 $0x0, s26  }
0x100: {  	v18 =	vsub.s32 v12, v14;
	(v2sf) =	vpush v12, $0xF;
	v12, _, _ =	vpop (xrf0);
	(xrf0) =	vadd.scan.msk.s32 $0xffff, v9;
	s28 =	spop (v2sf);
	v10 =	vadd.s32 s18, v10  }
0x101: {  	v16 =	vsel vm5, v21, v16;
	(v2sf) =	vpush v12, $0xF;
	s18 =	sadd.s32 s18, s28;
	vm5 =	vle.s32 v10, v8  }
0x102: {  	v17 =	vadd.s32 s18, v11;
	vm6 =	vlt.s32 v16, v10;
	v21 =	vmpcnt.ones.xlane vm5  }
0x103: {  	v14 =	vnsel vm5, $0x0, v10;
	vm7 =	vle.s32 v17, v8;
	v10 =	vsel vm6, v16, v10  }
0x104: {  	v25, _, _ =	vpop (xrf0);
	v24 =	vmpcnt.ones.xlane vm7;
	v13 =	vadd.s32 v21, v13;
	v21 =	vsel vm5, v16, v10  }
0x105: {  	(v2sf) =	vpush v25, $0xF;
	vm5 =	vlt.s32 v21, v17  }
0x106: {  	s29 =	simm.s32 $0x6810;
	v16 =	vadd.s32 v13, v24;
	v13 =	vnsel vm7, $0x0, v17;
	v63 =	vsel vm5, v21, v17;
	v17, _, _ =	vpop (xrf0)  }
0x107: {  	v11 =	vld [tilespmem:s29+$0xFFFFFFF0];
	s30 =	spop (v2sf);
	(v2sf) =	vpush v17, $0xF  }
0x108: {  	v10 =	vld [tilespmem:s29+$0x0];
	_ =	sdelay $0x2  }
0x109: {  	v12 =	vsub.s32 v12, v15;
	v15 =	vsub.s32 v25, v19;
	vm6 =	vgt.s32 v20, v23;
	s18 =	sadd.s32 s18, s30;
	s31 =	spop (v2sf)  }
0x10a: {  	(xrf0) =	vadd.scan.msk.s32 $0xffff, v11;
	v19 =	vsel vm7, v21, v63;
	v21 =	vadd.s32 s18, v22;
	s18 =	sadd.s32 s18, s31;
	v22 =	vsel vm6, v20, v23  }
0x10b: {  	v18 =	vadd.s32 s18, v18;
	vm5 =	vle.s32 v21, v8;
	vm6 =	vlt.s32 v19, v21;
	(xrf0) =	vadd.scan.msk.s32 $0xffff, v10  }
0x10c: {  	s21 =	simm.s32 $0x6830;
	s20 =	simm.s32 $0x80;
	vm7 =	vgt.s32 v22, v14;
	v23 =	vmpcnt.ones.xlane vm5;
	v20 =	vnsel vm5, $0x0, v21  }
.LBB2_8:
0x10d: {  	v24 =	vld [tilespmem:s21+$0xFFFFFFF0];
	s20 =	sadd.s32 $0x20, s20;
	vm8 =	vle.s32 v18, v8;
	v21 =	vsel vm6, v19, v21;
	v22 =	vsel vm7, v22, v14;
	v25 =	vmovc v15  }
0x10e: {  	v14 =	vmovc v20;
	v26 =	vld [tilespmem:s21+$0x0];
	p0 =	slt.u32 s20, $0x7E0;
	v15 =	vmpcnt.ones.xlane vm8;
	v16 =	vadd.s32 v23, v16;
	v19 =	vsel vm5, v19, v21  }
0x10f: {  	v27 =	vsub.s32 v17, v9;
	v9 =	vmovc v10;
	vm6 =	vgt.s32 v22, v13;
	vm5 =	vlt.s32 v19, v18  }
.Ltmp3:
0x110: {  	v28 =	vnsel vm8, $0x0, v18;
	v10, _, _ =	vpop (xrf0);
	v16 =	vadd.s32 v16, v15;
	v18 =	vsel vm5, v19, v18;
	s22 =	spop (v2sf);
	(pc) =	sbr.rel @p0 .LBB2_8-.Ltmp3, $4  }
0x111: {  	v15 =	vsub.s32 v10, v11;
	(v2sf) =	vpush v10, $0xF;
	v17, _, _ =	vpop (xrf0);
	v19 =	vsel vm8, v19, v18;
	s18 =	sadd.s32 s18, s22;
	s22 =	spop (v2sf)  }
0x112: {  	v22 =	vsel vm6, v22, v13;
	(xrf0) =	vadd.scan.msk.s32 $0xffff, v24;
	(v2sf) =	vpush v17, $0xF;
	v21 =	vadd.s32 s18, v12;
	s18 =	sadd.s32 s18, s22;
	v11 =	vmovc v24  }
0x113: {  	(xrf0) =	vadd.scan.msk.s32 $0xffff, v26;
	v18 =	vadd.s32 s18, v25;
	vm5 =	vle.s32 v21, v8;
	vm6 =	vlt.s32 v19, v21;
	v10 =	vmovc v26  }
0x114: {  	s21 =	sadd.s32 $0x20, s21;
	v13 =	vmovc v28;
	vm7 =	vgt.s32 v22, v14;
	v12 =	vmovc v27;
	v23 =	vmpcnt.ones.xlane vm5;
	v20 =	vnsel vm5, $0x0, v21  }
0x115: {  	_ =	sdelay $0x1  }
0x116: {  	vm8 =	vle.s32 v18, v8;
	v21 =	vsel vm6, v19, v21;
	v14 =	vsel vm7, v22, v14  }
0x117: {  	v9 =	vsub.s32 v17, v9;
	s20 =	spop (v2sf);
	v54 =	vmpcnt.ones.xlane vm8;
	v16 =	vadd.s32 v23, v16;
	v55, _, _ =	vpop (xrf0)  }
0x118: {  	v19 =	vsel vm5, v19, v21;
	vm6 =	vgt.s32 v14, v13;
	s18 =	sadd.s32 s18, s20;
	(v2sf) =	vpush v55, $0xF  }
0x119: {  	v57 =	vnsel vm8, $0x0, v18;
	s28 =	spop (v2sf);
	vm5 =	vlt.s32 v19, v18;
	v12 =	vadd.s32 s18, v12  }
0x11a: {  	s18 =	sadd.s32 s18, s28;
	v13 =	vsel vm6, v14, v13;
	v16 =	vadd.s32 v16, v54;
	v56 =	vsel vm5, v19, v18  }
0x11b: {  	v14 =	vadd.s32 s18, v15;
	vm5 =	vle.s32 v12, v8;
	vm7 =	vgt.s32 v13, v20  }
0x11c: {  	v11 =	vsub.s32 v55, v11;
	v58, _, _ =	vpop (xrf0);
	v17 =	vsel vm8, v19, v56;
	v15 =	vmpcnt.ones.xlane vm5  }
0x11d: {  	v59 =	vnsel vm5, $0x0, v12;
	vm14 =	vle.s32 v14, v8;
	(v2sf) =	vpush v58, $0xF  }
0x11e: {  	v13 =	vsel vm7, v13, v20;
	vm6 =	vlt.s32 v17, v12;
	v60 =	vmpcnt.ones.xlane vm14  }
0x11f: {  	v10 =	vsub.s32 v58, v10;
	v61 =	vnsel vm14, $0x0, v14;
	v12 =	vsel vm6, v17, v12  }
0x120: {  	v15 =	vadd.s32 v15, v16;
	vm6 =	vgt.s32 v13, v57;
	v12 =	vsel vm5, v17, v12;
	s29 =	spop (v2sf)  }
0x121: {  	v15 =	vadd.s32 v15, v60;
	v13 =	vsel vm6, v13, v57;
	vm5 =	vlt.s32 v12, v14;
	s18 =	sadd.s32 s18, s29  }
0x122: {  	vm7 =	vgt.s32 v13, v59;
	v14 =	vsel vm5, v12, v14;
	s30 =	spop (v2sf);
	v9 =	vadd.s32 s18, v9  }
0x123: {  	v13 =	vsel vm7, v13, v59;
	v12 =	vsel vm14, v12, v14;
	s18 =	sadd.s32 s18, s30;
	vm5 =	vle.s32 v9, v8  }
0x124: {  	v11 =	vadd.s32 s18, v11;
	vm6 =	vlt.s32 v12, v9;
	v14 =	vmpcnt.ones.xlane vm5  }
0x125: {  	v62 =	vnsel vm5, $0x0, v9;
	vm15 =	vle.s32 v11, v8;
	v9 =	vsel vm6, v12, v9  }
0x126: {  	v63 =	vmpcnt.ones.xlane vm15;
	v9 =	vsel vm5, v12, v9;
	vm5 =	vgt.s32 v13, v61  }
0x127: {  	v12 =	vadd.s32 v14, v15;
	vm6 =	vlt.s32 v9, v11;
	v13 =	vsel vm5, v13, v61;
	s31 =	spop (v2sf)  }
0x128: {  	v14 =	vnsel vm15, $0x0, v11;
	v11 =	vsel vm6, v9, v11;
	vm5 =	vgt.s32 v13, v62;
	s18 =	sadd.s32 s18, s31  }
0x129: {  	v11 =	vsel vm15, v9, v11;
	v9 =	vadd.s32 s18, v10;
	v10 =	vsel vm5, v13, v62  }
0x12a: {  	s20 =	simm.s32 $0x67A0;
	vm5 =	vle.s32 v9, v8;
	vm6 =	vlt.s32 v11, v9;
	vm7 =	vgt.s32 v10, v14  }
0x12b: {  	[tilespmem:s20+$0xFFFFFFE0] =	vst v0;
	v8 =	vmpcnt.ones.xlane vm5;
	v13 =	vnsel vm5, $0x0, v9;
	v10 =	vsel vm7, v10, v14  }
0x12c: {  	[tilespmem:s20+$0x10] =	vst v0;
	v12 =	vadd.s32 v12, v63;
	s21 =	spop (v2sf);
	v14 =	vsel vm6, v11, v9;
	vm6 =	vgt.s32 v10, v13  }
0x12d: {  	[tilespmem:s20+$0x0] =	vst v0;
	s18 =	sadd.s32 s18, s21;
	s21 =	simm.s32 $0x0;
	v11 =	vsel vm5, v11, v14;
	v9 =	vadd.s32 v8, v12;
	v12 =	vsel vm6, v10, v13  }
.LBB2_10:
0x12e: {  	s21 =	sadd.s32 $0x40, s21  }
0x12f: {  	[tilespmem:s20+$0xFFFFFFF0] =	vst v0;
	s20 =	sadd.s32 $0x40, s20;
	p0 =	slt.u32 s21, $0x3C0  }
.Ltmp4:
0x130: {  	[tilespmem:s20+$0xFFFFFFE0] =	vst v0;
	(pc) =	sbr.rel @p0 .LBB2_10-.Ltmp4, $3  }
0x131: {  	_ =	sdelay $0x1  }
0x132: {  	[tilespmem:s20+$0x10] =	vst v0  }
0x133: {  	[tilespmem:s20+$0x0] =	vst v0  }
0x134: {  	[tilespmem:s20+$0xFFFFFFF0] =	vst v0;
	s30 =	simm.s32 $0x4520  }
0x135: {  	v10 =	vld [tilespmem:s30+$0xFFFFFFE0];
	_ =	sdelay $0x1  }
0x136: {  	v13 =	vld [tilespmem:s30+$0xFFFFFFF0]  }
0x137: {  	v15 =	vld [tilespmem:s30+$0x0]  }
0x138: {  	v8 =	vadd.s32 $0xFFFFFFFF, v9;
	v14 =	vimm.f32 $0.0e+00  }
0x139: {  	s31 =	simm.s32 $0x4560;
	v16 =	vshra.s32 v10, $0x14;
	vm5 =	vne.s32 v10, $0x0;
	v17 =	vshrl.u32 v10, $0xA  }
0x13a: {  	v19 =	vld [tilespmem:s31+$0xFFFFFFE0];
	vm6 =	veq.s32 v16, v8;
	v18 =	vand.u32 $0x3FF, v17;
	vm7 =	vgt.s32 v16, v8  }
0x13b: {  	v16 =	vld [tilespmem:s30+$0x10];
	v17 =	vshra.s32 v13, $0x14;
	v10 =	vnsel vm7, $0x0, v10;
	vm7 =	vne.s32 v13, $0x0  }
0x13c: {  	vm8 =	veq.s32 v17, v8;
	vm9 =	vgt.s32 v17, v8;
	v17 =	vshra.s32 v15, $0x14  }
0x13d: {  	v10 =	vadd.f32 v10, v14;
	v14 =	vnsel vm9, $0x0, v13;
	vm9 =	vne.s32 v15, $0x0  }
0x13e: {  	vm10 =	veq.s32 v17, v8;
	vm11 =	vgt.s32 v17, v8;
	vm15 =	vmand vm7, vm8  }
0x13f: {  	vm7 =	vne.s32 v19, $0x0;
	v10 =	vadd.f32 v14, v10;
	v14 =	vnsel vm11, $0x0, v15  }
0x140: {  	v15 =	vshrl.u32 v15, $0xA;
	v17 =	vshra.s32 v16, $0x14;
	vm11 =	vne.s32 v16, $0x0  }
0x141: {  	v20 =	vshrl.u32 v16, $0xA;
	v15 =	vand.u32 $0x3FF, v15;
	v10 =	vadd.f32 v14, v10  }
0x142: {  	vm12 =	veq.s32 v17, v8;
	vm13 =	vgt.s32 v17, v8;
	v14 =	vshrl.u32 v13, $0xA;
	v13 =	vld [tilespmem:s31+$0xFFFFFFF0]  }
0x143: {  	v17 =	vnsel vm13, $0x0, v16;
	vm13 =	vmand vm5, vm6;
	vm6 =	vmand vm9, vm10  }
0x144: {  	vm5 =	vmand vm11, vm12;
	v16 =	vld [tilespmem:s31+$0x0];
	v22 =	vand.u32 $0x3FF, v14;
	v14 =	vand.u32 $0x3FF, v20  }
0x145: {  	v21 =	vadd.f32 v17, v10;
	v17 =	vshra.s32 v19, $0x14;
	v10 =	vshrl.u32 v19, $0xA  }
0x146: {  	vm8 =	veq.s32 v17, v8;
	v10 =	vand.u32 $0x3FF, v10;
	vm9 =	vgt.s32 v17, v8;
	v17 =	vld [tilespmem:s31+$0x10]  }
0x147: {  	v19 =	vnsel vm9, $0x0, v19;
	v20 =	vshra.s32 v13, $0x14;
	vm9 =	vne.s32 v13, $0x0  }
0x148: {  	v19 =	vadd.f32 v19, v21;
	vm10 =	veq.s32 v20, v8;
	vm11 =	vgt.s32 v20, v8  }
0x149: {  	v21 =	vshra.s32 v16, $0x14;
	v20 =	vnsel vm11, $0x0, v13;
	vm11 =	vne.s32 v16, $0x0;
	[tilespmem:v18+s12+$0x0] =	vst.idx.add.s32.msk vm13, v2  }
0x14a: {  	vm12 =	veq.s32 v21, v8;
	vm13 =	vgt.s32 v21, v8;
	v18 =	vadd.f32 v20, v19  }
0x14b: {  	s20 =	simm.s32 $0x40;
	s21 =	simm.s32 $0x45A0;
	[tilespmem:v22+s12+$0x0] =	vst.idx.add.s32.msk vm15, v2;
	v20 =	vnsel vm13, $0x0, v16;
	v19 =	vshra.s32 v17, $0x14;
	vm14 =	vne.s32 v17, $0x0  }
.LBB2_12:
0x14c: {  	v21 =	vld [tilespmem:s21+$0xFFFFFFE0];
	s20 =	sadd.s32 $0x40, s20;
	v18 =	vadd.f32 v20, v18;
	vm0 =	veq.s32 v19, v8;
	vm13 =	vgt.s32 v19, v8  }
0x14d: {  	v19 =	vshrl.u32 v13, $0xA;
	v20 =	vshrl.u32 v16, $0xA;
	p0 =	slt.u32 s20, $0x21C0;
	v16 =	vnsel vm13, $0x0, v17;
	[tilespmem:v15+s12+$0x0] =	vst.idx.add.s32.msk vm6, v2  }
0x14e: {  	vm15 =	vmand vm7, vm8;
	v17 =	vshrl.u32 v17, $0xA;
	v13 =	vld [tilespmem:s21+$0xFFFFFFF0];
	v18 =	vadd.f32 v16, v18  }
0x14f: {  	vm13 =	vmand vm9, vm10;
	vm6 =	vmand vm11, vm12;
	[tilespmem:v14+s12+$0x0] =	vst.idx.add.s32.msk vm5, v2;
	vm5 =	vmand vm14, vm0  }
0x150: {  	v22 =	vand.u32 $0x3FF, v19;
	v15 =	vand.u32 $0x3FF, v20;
	v14 =	vand.u32 $0x3FF, v17;
	v16 =	vld [tilespmem:s21+$0x0]  }
0x151: {  	v17 =	vshra.s32 v21, $0x14;
	vm7 =	vne.s32 v21, $0x0;
	v19 =	vshrl.u32 v21, $0xA  }
0x152: {  	vm8 =	veq.s32 v17, v8;
	v19 =	vand.u32 $0x3FF, v19;
	vm0 =	vgt.s32 v17, v8;
	v17 =	vld [tilespmem:s21+$0x10]  }
.Ltmp5:
0x153: {  	v20 =	vnsel vm0, $0x0, v21;
	v21 =	vshra.s32 v13, $0x14;
	vm9 =	vne.s32 v13, $0x0;
	(pc) =	sbr.rel @p0 .LBB2_12-.Ltmp5, $4  }
0x154: {  	v18 =	vadd.f32 v20, v18;
	vm10 =	veq.s32 v21, v8;
	vm0 =	vgt.s32 v21, v8  }
0x155: {  	v20 =	vnsel vm0, $0x0, v13;
	v21 =	vshra.s32 v16, $0x14;
	vm11 =	vne.s32 v16, $0x0;
	[tilespmem:v10+s12+$0x0] =	vst.idx.add.s32.msk vm15, v2;
	v10 =	vmovc v19  }
0x156: {  	v18 =	vadd.f32 v20, v18;
	vm12 =	veq.s32 v21, v8;
	vm0 =	vgt.s32 v21, v8  }
0x157: {  	s21 =	sadd.s32 $0x40, s21;
	v20 =	vnsel vm0, $0x0, v16;
	v19 =	vshra.s32 v17, $0x14;
	vm14 =	vne.s32 v17, $0x0;
	[tilespmem:v22+s12+$0x0] =	vst.idx.add.s32.msk vm13, v2  }
0x158: {  	_ = 	snop  }
0x159: {  	vm0 =	vmand vm7, vm8  }
0x15a: {  	vm7 =	veq.s32 v19, v8;
	v13 =	vshrl.u32 v13, $0xA;
	vm13 =	vmand vm9, vm10  }
0x15b: {  	v16 =	vshrl.u32 v16, $0xA;
	vm15 =	vmand vm11, vm12;
	v13 =	vand.u32 $0x3FF, v13  }
0x15c: {  	v21 =	vshrl.u32 v17, $0xA;
	vm7 =	vmand vm14, vm7;
	v16 =	vand.u32 $0x3FF, v16  }
0x15d: {  	[tilespmem:v15+s12+$0x0] =	vst.idx.add.s32.msk vm6, v2;
	v15 =	vand.u32 $0x3FF, v21  }
0x15e: {  	[tilespmem:v14+s12+$0x0] =	vst.idx.add.s32.msk vm5, v2  }
0x15f: {  	[tilespmem:v10+s12+$0x0] =	vst.idx.add.s32.msk vm0, v2  }
0x160: {  	v10 =	vadd.f32 v20, v18;
	vm0 =	vgt.s32 v19, v8;
	[tilespmem:v13+s12+$0x0] =	vst.idx.add.s32.msk vm13, v2  }
0x161: {  	[tilespmem:v16+s12+$0x0] =	vst.idx.add.s32.msk vm15, v2;
	v13 =	vnsel vm0, $0x0, v17  }
0x162: {  	s20 =	simm.s32 $0x21F0;
	s21 =	simm.s32 $0x6700;
	[tilespmem:v15+s12+$0x0] =	vst.idx.add.s32.msk vm7, v2;
	v10 =	vadd.f32 v13, v10  }
.LBB2_14:
0x163: {  	v13 =	vld [tilespmem:s21+$0x0];
	_ =	sdelay $0x4  }
0x164: {  	v14 =	vshra.s32 v13, $0x14  }
0x165: {  	vm5 =	vne.s32 v13, $0x0;
	vm0 =	veq.s32 v14, v8  }
0x166: {  	s20 =	sadd.s32 $0x10, s20;
	v15 =	vshrl.u32 v13, $0xA;
	vm0 =	vmand vm5, vm0  }
0x167: {  	p0 =	slt.u32 s20, $0x2210;
	v15 =	vand.u32 $0x3FF, v15  }
.Ltmp6:
0x168: {  	_ = 	snop;
	(pc) =	sbr.rel @p0 .LBB2_14-.Ltmp6, $4  }
0x169: {  	_ = 	snop  }
0x16a: {  	vm5 =	vgt.s32 v14, v8  }
0x16b: {  	v13 =	vnsel vm5, $0x0, v13  }
0x16c: {  	s21 =	sadd.s32 $0x10, s21;
	v10 =	vadd.f32 v13, v10;
	[tilespmem:v15+s12+$0x0] =	vst.idx.add.s32.msk vm0, v2  }
0x16d: {  	v13 =	vld [tilespmem:$0x6780];
	_ =	sdelay $0x1  }
0x16e: {  	v12 =	vxor.u32 $0x80000000, v12;
	vm0 =	veq.s32 v8, $0x0  }
0x16f: {  	v11 =	vxor.u32 $0x80000000, v11;
	(xrf0) =	vmax.scan.msk.u32 $0xffff, v12;
	vm0 =	vmand vm0, vm1  }
0x170: {  	(xrf0) =	vmin.scan.msk.u32 $0xffff, v11;
	v11 =	vnsel vm0, $0x0, v7  }
0x171: {  	v11 =	vadd.s32 v11, v13  }
0x172: {  	s20 =	simm.s32 $0x6790;
	[tilespmem:$0x6780] =	vst v11  }
0x173: {  	v12 =	vld [tilespmem:s20+$0xFFFFFFF0];
	_ =	sdelay $0x1  }
0x174: {  	v13 =	vld [tilespmem:s20+$0x0];
	v11, _, _ =	vpop (xrf0)  }
0x175: {  	(v2sf) =	vpush v11, $0xF;
	v11, _, _ =	vpop (xrf0)  }
0x176: {  	(v2sf) =	vpush v11, $0xF  }
0x177: {  	(xrf0) =	vadd.scan.msk.s32 $0xffff, v12;
	_ =	sdelay $0x1  }
0x178: {  	(xrf0) =	vadd.scan.msk.s32 $0xffff, v13;
	_ =	sdelay $0x1  }
0x179: {  	s22 =	simm.s32 $0x67B0  }
0x17a: {  	v14 =	vld [tilespmem:s22+$0xFFFFFFF0]  }
0x17b: {  	v11, _, _ =	vpop (xrf0)  }
0x17c: {  	v15 =	vld [tilespmem:s22+$0x0];
	(v2sf) =	vpush v11, $0xF  }
0x17d: {  	v16, _, _ =	vpop (xrf0)  }
0x17e: {  	(v2sf) =	vpush v16, $0xF  }
0x17f: {  	s21 =	simm.s32 $0x67D0;
	(xrf0) =	vadd.scan.msk.s32 $0xffff, v14  }
0x180: {  	v17 =	vld [tilespmem:s21+$0xFFFFFFF0]  }
0x181: {  	(xrf0) =	vadd.scan.msk.s32 $0xffff, v15  }
0x182: {  	v18 =	vld [tilespmem:s21+$0x0];
	s23 =	spop (v2sf)  }
0x183: {  	s22 =	spop (v2sf)  }
0x184: {  	s22 =	sxor.u32 $0x80000000, s22  }
0x185: {  	s25 =	simm.s32 $0x67F0;
	s21 =	smov.u32 s18;
	v19, _, _ =	vpop (xrf0);
	(xrf0) =	vadd.scan.msk.s32 $0xffff, v17;
	p0 =	slt.s32 s22, s18  }
0x186: {  	v22 =	vld [tilespmem:s25+$0xFFFFFFF0];
	s21 =	smov.u32 @p0 s22  }
0x187: {  	s24 =	simm.s32 $0x0;
	v12 =	vsub.s32 v11, v12;
	v20, _, _ =	vpop (xrf0);
	s20 =	sxor.u32 $0x80000000, s23;
	(xrf0) =	vadd.scan.msk.s32 $0xffff, v18;
	s18 =	ssub.s32 s18, s21  }
0x188: {  	v23 =	vimm.s32 $0x0;
	v21 =	vadd.s32 s24, v12;
	v12 =	vld [tilespmem:s25+$0x0];
	(v2sf) =	vpush v19, $0xF;
	s20 =	ssub.s32 s21, s20;
	s19 =	ssub.s32 s19, s18  }
0x189: {  	v24 =	vimm.s32 $0x7FFFFFFF;
	v13 =	vsub.s32 v16, v13;
	(v2sf) =	vpush v20, $0xF;
	s20 =	ssub.s32 s20, s19  }
0x18a: {  	vm5 =	vlt.s32 v24, v21;
	v14 =	vsub.s32 v19, v14;
	v11 =	vmov s20  }
0x18b: {  	v19 =	vsel vm5, v24, v21;
	v25 =	vsub.s32 v20, v15;
	v15, _, _ =	vpop (xrf0);
	(xrf0) =	vadd.scan.msk.s32 $0xffff, v22;
	vm0 =	vle.s32 v21, v11;
	s26 =	spop (v2sf)  }
0x18c: {  	(v2sf) =	vpush v15, $0xF;
	v16 =	vmpcnt.ones.xlane vm0;
	v26 =	vnsel vm0, $0x0, v21;
	s20 =	sadd.s32 $0x0, s26  }
0x18d: {  	v21 =	vsub.s32 v15, v17;
	v15, _, _ =	vpop (xrf0);
	v19 =	vsel vm0, v24, v19;
	(xrf0) =	vadd.scan.msk.s32 $0xffff, v12;
	s28 =	spop (v2sf);
	v13 =	vadd.s32 s20, v13  }
0x18e: {  	(v2sf) =	vpush v15, $0xF;
	v16 =	vadd.s32 v23, v16;
	s20 =	sadd.s32 s20, s28;
	vm0 =	vle.s32 v13, v11  }
0x18f: {  	v20 =	vadd.s32 s20, v14;
	vm5 =	vlt.s32 v19, v13;
	v24 =	vmpcnt.ones.xlane vm0  }
0x190: {  	v17 =	vnsel vm0, $0x0, v13;
	vm6 =	vle.s32 v20, v11;
	v13 =	vsel vm5, v19, v13  }
0x191: {  	v28, _, _ =	vpop (xrf0);
	v27 =	vmpcnt.ones.xlane vm6;
	v16 =	vadd.s32 v24, v16;
	v24 =	vsel vm0, v19, v13  }
0x192: {  	(v2sf) =	vpush v28, $0xF;
	vm0 =	vlt.s32 v24, v20  }
0x193: {  	s29 =	simm.s32 $0x6810;
	v19 =	vadd.s32 v16, v27;
	v16 =	vnsel vm6, $0x0, v20;
	v27 =	vsel vm0, v24, v20;
	v20, _, _ =	vpop (xrf0)  }
0x194: {  	v14 =	vld [tilespmem:s29+$0xFFFFFFF0];
	(v2sf) =	vpush v20, $0xF  }
0x195: {  	v13 =	vld [tilespmem:s29+$0x0];
	_ =	sdelay $0x1  }
0x196: {  	s30 =	spop (v2sf)  }
0x197: {  	v15 =	vsub.s32 v15, v18;
	v18 =	vsub.s32 v28, v22;
	vm5 =	vgt.s32 v23, v26;
	s20 =	sadd.s32 s20, s30;
	s31 =	spop (v2sf)  }
0x198: {  	(xrf0) =	vadd.scan.msk.s32 $0xffff, v14;
	v22 =	vsel vm6, v24, v27;
	v24 =	vadd.s32 s20, v25;
	s20 =	sadd.s32 s20, s31;
	v25 =	vsel vm5, v23, v26  }
0x199: {  	v21 =	vadd.s32 s20, v21;
	vm5 =	vle.s32 v24, v11;
	vm6 =	vlt.s32 v22, v24;
	(xrf0) =	vadd.scan.msk.s32 $0xffff, v13  }
0x19a: {  	s22 =	simm.s32 $0x6830;
	s21 =	simm.s32 $0x80;
	vm7 =	vgt.s32 v25, v17;
	v26 =	vmpcnt.ones.xlane vm5;
	v23 =	vnsel vm5, $0x0, v24  }
.LBB2_16:
0x19b: {  	v27 =	vld [tilespmem:s22+$0xFFFFFFF0];
	s21 =	sadd.s32 $0x20, s21;
	vm0 =	vle.s32 v21, v11;
	v24 =	vsel vm6, v22, v24;
	v25 =	vsel vm7, v25, v17;
	v28 =	vmovc v18  }
0x19c: {  	v17 =	vmovc v23;
	v29 =	vld [tilespmem:s22+$0x0];
	p0 =	slt.u32 s21, $0x3E0;
	v18 =	vmpcnt.ones.xlane vm0;
	v19 =	vadd.s32 v26, v19;
	v22 =	vsel vm5, v22, v24  }
0x19d: {  	v30 =	vsub.s32 v20, v12;
	v12 =	vmovc v13;
	vm6 =	vgt.s32 v25, v16;
	vm5 =	vlt.s32 v22, v21  }
.Ltmp7:
0x19e: {  	v31 =	vnsel vm0, $0x0, v21;
	v13, _, _ =	vpop (xrf0);
	v19 =	vadd.s32 v19, v18;
	v21 =	vsel vm5, v22, v21;
	s23 =	spop (v2sf);
	(pc) =	sbr.rel @p0 .LBB2_16-.Ltmp7, $4  }
0x19f: {  	v18 =	vsub.s32 v13, v14;
	(v2sf) =	vpush v13, $0xF;
	v20, _, _ =	vpop (xrf0);
	v22 =	vsel vm0, v22, v21;
	s20 =	sadd.s32 s20, s23;
	s23 =	spop (v2sf)  }
0x1a0: {  	v25 =	vsel vm6, v25, v16;
	(xrf0) =	vadd.scan.msk.s32 $0xffff, v27;
	(v2sf) =	vpush v20, $0xF;
	v24 =	vadd.s32 s20, v15;
	s20 =	sadd.s32 s20, s23;
	v14 =	vmovc v27  }
0x1a1: {  	(xrf0) =	vadd.scan.msk.s32 $0xffff, v29;
	v21 =	vadd.s32 s20, v28;
	vm5 =	vle.s32 v24, v11;
	vm6 =	vlt.s32 v22, v24;
	v13 =	vmovc v29  }
0x1a2: {  	s22 =	sadd.s32 $0x20, s22;
	v16 =	vmovc v31;
	vm7 =	vgt.s32 v25, v17;
	v15 =	vmovc v30;
	v26 =	vmpcnt.ones.xlane vm5;
	v23 =	vnsel vm5, $0x0, v24  }
0x1a3: {  	_ =	sdelay $0x1  }
0x1a4: {  	vm0 =	vle.s32 v21, v11;
	v24 =	vsel vm6, v22, v24;
	v17 =	vsel vm7, v25, v17  }
0x1a5: {  	v12 =	vsub.s32 v20, v12;
	s21 =	spop (v2sf);
	v48 =	vmpcnt.ones.xlane vm0;
	v19 =	vadd.s32 v26, v19;
	v49, _, _ =	vpop (xrf0)  }
0x1a6: {  	v22 =	vsel vm5, v22, v24;
	vm6 =	vgt.s32 v17, v16;
	s20 =	sadd.s32 s20, s21;
	(v2sf) =	vpush v49, $0xF  }
0x1a7: {  	v51 =	vnsel vm0, $0x0, v21;
	s26 =	spop (v2sf);
	vm5 =	vlt.s32 v22, v21;
	v15 =	vadd.s32 s20, v15  }
0x1a8: {  	s20 =	sadd.s32 s20, s26;
	v16 =	vsel vm6, v17, v16;
	v19 =	vadd.s32 v19, v48;
	v50 =	vsel vm5, v22, v21  }
0x1a9: {  	v53 =	vadd.s32 s20, v18;
	vm6 =	vgt.s32 v16, v23;
	v14 =	vsub.s32 v49, v14  }
0x1aa: {  	v52, _, _ =	vpop (xrf0);
	v20 =	vsel vm0, v22, v50;
	vm0 =	vle.s32 v15, v11;
	vm7 =	vle.s32 v53, v11  }
0x1ab: {  	v16 =	vsel vm6, v16, v23;
	(v2sf) =	vpush v52, $0xF;
	vm5 =	vlt.s32 v20, v15  }
0x1ac: {  	v54 =	vmpcnt.ones.xlane vm0;
	v55 =	vnsel vm0, $0x0, v15;
	v15 =	vsel vm5, v20, v15  }
0x1ad: {  	v56 =	vmpcnt.ones.xlane vm7;
	v13 =	vsub.s32 v52, v13;
	v15 =	vsel vm0, v20, v15  }
0x1ae: {  	v57 =	vnsel vm7, $0x0, v53;
	vm5 =	vgt.s32 v16, v51;
	vm0 =	vlt.s32 v15, v53;
	s28 =	spop (v2sf)  }
0x1af: {  	v18 =	vadd.s32 v54, v19;
	v16 =	vsel vm5, v16, v51;
	v17 =	vsel vm0, v15, v53;
	s20 =	sadd.s32 s20, s28  }
0x1b0: {  	vm6 =	vgt.s32 v16, v55;
	v15 =	vsel vm7, v15, v17;
	s29 =	spop (v2sf);
	v12 =	vadd.s32 s20, v12  }
0x1b1: {  	v16 =	vsel vm6, v16, v55;
	s20 =	sadd.s32 s20, s29;
	vm0 =	vle.s32 v12, v11;
	vm5 =	vlt.s32 v15, v12  }
0x1b2: {  	v14 =	vadd.s32 s20, v14;
	v59 =	vnsel vm0, $0x0, v12;
	v12 =	vsel vm5, v15, v12  }
0x1b3: {  	v58 =	vmpcnt.ones.xlane vm0;
	v12 =	vsel vm0, v15, v12;
	vm0 =	vgt.s32 v16, v57  }
0x1b4: {  	vm7 =	vle.s32 v14, v11;
	vm5 =	vlt.s32 v12, v14;
	v16 =	vsel vm0, v16, v57  }
0x1b5: {  	v61 =	vnsel vm7, $0x0, v14;
	v14 =	vsel vm5, v12, v14;
	vm0 =	vgt.s32 v16, v59;
	s30 =	spop (v2sf)  }
0x1b6: {  	v18 =	vadd.s32 v18, v56;
	v12 =	vsel vm7, v12, v14;
	v14 =	vsel vm0, v16, v59;
	s20 =	sadd.s32 s20, s30  }
0x1b7: {  	v60 =	vmpcnt.ones.xlane vm7;
	vm6 =	vgt.s32 v14, v61;
	v13 =	vadd.s32 s20, v13  }
0x1b8: {  	s22 =	simm.s32 $0x67A0;
	v15 =	vadd.s32 v58, v18;
	v14 =	vsel vm6, v14, v61;
	vm0 =	vle.s32 v13, v11  }
0x1b9: {  	[tilespmem:s22+$0xFFFFFFE0] =	vst v0;
	vm5 =	vlt.s32 v12, v13;
	v11 =	vmpcnt.ones.xlane vm0;
	v62 =	vnsel vm0, $0x0, v13  }
0x1ba: {  	[tilespmem:s22+$0x10] =	vst v0;
	v15 =	vadd.s32 v15, v60;
	s31 =	spop (v2sf);
	v63 =	vsel vm5, v12, v13;
	vm5 =	vgt.s32 v14, v62  }
0x1bb: {  	s23 =	simm.s32 $0x0;
	[tilespmem:s22+$0x0] =	vst v0;
	s20 =	sadd.s32 s20, s31;
	v13 =	vadd.s32 v11, v15;
	v11 =	vsel vm0, v12, v63;
	v12 =	vsel vm5, v14, v62  }
.LBB2_18:
0x1bc: {  	s23 =	sadd.s32 $0x40, s23  }
0x1bd: {  	[tilespmem:s22+$0xFFFFFFF0] =	vst v0;
	s22 =	sadd.s32 $0x40, s22;
	s21 =	simm.s32 $0x6FA0;
	p0 =	slt.u32 s23, $0x3C0  }
.Ltmp8:
0x1be: {  	[tilespmem:s22+$0xFFFFFFE0] =	vst v0;
	(pc) =	sbr.rel @p0 .LBB2_18-.Ltmp8, $3  }
0x1bf: {  	_ =	sdelay $0x1  }
0x1c0: {  	[tilespmem:s22+$0x10] =	vst v0  }
0x1c1: {  	[tilespmem:s22+$0x0] =	vst v0  }
0x1c2: {  	[tilespmem:s22+$0xFFFFFFF0] =	vst v0  }
0x1c3: {  	[tilespmem:s21+$0xFFFFFFE0] =	vst v1  }
0x1c4: {  	[tilespmem:s21+$0x10] =	vst v1  }
0x1c5: {  	s22 =	simm.s32 $0x0;
	[tilespmem:s21+$0x0] =	vst v1  }
.LBB2_20:
0x1c6: {  	s22 =	sadd.s32 $0x40, s22  }
0x1c7: {  	[tilespmem:s21+$0xFFFFFFF0] =	vst v1;
	s21 =	sadd.s32 $0x40, s21;
	p0 =	slt.u32 s22, $0x3C0  }
.Ltmp9:
0x1c8: {  	[tilespmem:s21+$0xFFFFFFE0] =	vst v1;
	(pc) =	sbr.rel @p0 .LBB2_20-.Ltmp9, $3  }
0x1c9: {  	_ =	sdelay $0x1  }
0x1ca: {  	[tilespmem:s21+$0x10] =	vst v1  }
0x1cb: {  	[tilespmem:s21+$0x0] =	vst v1  }
0x1cc: {  	[tilespmem:s21+$0xFFFFFFF0] =	vst v1;
	s30 =	simm.s32 $0x4520  }
0x1cd: {  	v20 =	vld [tilespmem:s30+$0xFFFFFFE0]  }
0x1ce: {  	v22 =	vld [tilespmem:s30+$0xFFFFFFF0]  }
0x1cf: {  	v13 =	vadd.s32 $0xFFFFFFFF, v13;
	v8 =	vshll.u32 v8, $0xA  }
0x1d0: {  	v8 =	vor.u32 v8, v13;
	v13 =	vshll.u32 v9, $0xA;
	v9 =	vld [tilespmem:s30+$0x10];
	_ =	sdelay $0x1  }
0x1d1: {  	v23 =	vld [tilespmem:s30+$0x0];
	v14 =	vshra.s32 v20, $0xA  }
0x1d2: {  	vm5 =	vne.s32 v20, $0x0;
	v21 =	vand.u32 $0x3FF, v20;
	v15 =	vshra.s32 v22, $0xA  }
0x1d3: {  	vm9 =	vne.s32 v22, $0x0;
	vm0 =	vgt.s32 v14, v8;
	vm6 =	vlt.s32 v14, v13  }
0x1d4: {  	vm11 =	vne.s32 v9, $0x0;
	vm7 =	vlt.s32 v15, v13;
	vm0 =	vmand vm0, vm6  }
0x1d5: {  	vm6 =	veq.s32 v14, v8;
	v14 =	vnsel vm0, $0x0, v20;
	vm0 =	vgt.s32 v15, v8  }
0x1d6: {  	v10 =	vadd.f32 v14, v10;
	v14 =	vshra.s32 v23, $0xA;
	vm0 =	vmand vm0, vm7  }
0x1d7: {  	vm7 =	vgt.s32 v14, v8;
	vm8 =	vlt.s32 v14, v13;
	v16 =	vnsel vm0, $0x0, v22  }
0x1d8: {  	vm0 =	vmand vm7, vm8;
	v10 =	vadd.f32 v16, v10;
	v16 =	vshra.s32 v9, $0xA  }
0x1d9: {  	s31 =	simm.s32 $0x4560;
	v17 =	vnsel vm0, $0x0, v23;
	vm0 =	vgt.s32 v16, v8;
	vm7 =	vlt.s32 v16, v13  }
0x1da: {  	vm8 =	veq.s32 v15, v8;
	v15 =	vadd.f32 v17, v10;
	vm0 =	vmand vm0, vm7;
	v10 =	vld [tilespmem:s31+$0xFFFFFFE0]  }
0x1db: {  	v24 =	vand.u32 $0x3FF, v22;
	vm7 =	veq.s32 v14, v8;
	v14 =	vnsel vm0, $0x0, v9  }
0x1dc: {  	v25 =	vand.u32 $0x3FF, v23;
	vm12 =	vmand vm5, vm6;
	v19 =	vadd.f32 v14, v15;
	v14 =	vld [tilespmem:s31+$0xFFFFFFF0]  }
0x1dd: {  	vm10 =	veq.s32 v16, v8;
	vm13 =	vmand vm9, vm8;
	vm0 =	vne.s32 v23, $0x0  }
0x1de: {  	v16 =	vand.u32 $0x3FF, v9;
	vm5 =	vmand vm11, vm10;
	v17 =	vld [tilespmem:s31+$0x0];
	vm9 =	vmand vm0, vm7  }
0x1df: {  	v15 =	vshra.s32 v10, $0xA;
	vm6 =	vne.s32 v10, $0x0;
	v18 =	vand.u32 $0x3FF, v10  }
0x1e0: {  	vm7 =	veq.s32 v15, v8;
	vm0 =	vgt.s32 v15, v8;
	vm8 =	vlt.s32 v15, v13;
	v15 =	vld [tilespmem:s31+$0x10]  }
0x1e1: {  	vm0 =	vmand vm0, vm8;
	v26 =	vshra.s32 v14, $0xA;
	vm8 =	vne.s32 v14, $0x0  }
0x1e2: {  	[tilespmem:v21+s12+$0x0] =	vst.idx.add.s32.msk vm12, v2;
	v27 =	vnsel vm0, $0x0, v10;
	vm0 =	vgt.s32 v26, v8;
	vm10 =	vlt.s32 v26, v13  }
0x1e3: {  	[tilespmem:v21+s13+$0x0] =	vst.idx.add.f32.msk vm12, v20;
	v27 =	vadd.f32 v27, v19;
	vm0 =	vmand vm0, vm10;
	v19 =	vshra.s32 v17, $0xA  }
0x1e4: {  	[tilespmem:v24+s12+$0x0] =	vst.idx.add.s32.msk vm13, v2;
	v20 =	vnsel vm0, $0x0, v14;
	vm0 =	vgt.s32 v19, v8;
	vm10 =	vlt.s32 v19, v13  }
0x1e5: {  	[tilespmem:v24+s13+$0x0] =	vst.idx.add.f32.msk vm13, v22;
	v20 =	vadd.f32 v20, v27;
	vm0 =	vmand vm0, vm10;
	v21 =	vshra.s32 v15, $0xA  }
0x1e6: {  	[tilespmem:v25+s12+$0x0] =	vst.idx.add.s32.msk vm9, v2;
	v22 =	vnsel vm0, $0x0, v17;
	vm0 =	vgt.s32 v21, v8;
	vm10 =	vlt.s32 v21, v13  }
0x1e7: {  	s21 =	simm.s32 $0x40;
	s22 =	simm.s32 $0x45A0;
	vm12 =	veq.s32 v26, v8;
	[tilespmem:v25+s13+$0x0] =	vst.idx.add.f32.msk vm9, v23;
	v20 =	vadd.f32 v22, v20;
	vm10 =	vmand vm0, vm10  }
.LBB2_22:
0x1e8: {  	v22 =	vld [tilespmem:s22+$0xFFFFFFE0];
	s21 =	sadd.s32 $0x40, s21;
	vm0 =	veq.s32 v19, v8;
	vm13 =	veq.s32 v21, v8;
	v19 =	vnsel vm10, $0x0, v15;
	v23 =	vmovc v17;
	v21 =	vmovc v18  }
0x1e9: {  	vm14 =	vne.s32 v15, $0x0;
	p0 =	slt.u32 s21, $0x21C0;
	vm9 =	vne.s32 v23, $0x0;
	v19 =	vadd.f32 v19, v20;
	[tilespmem:v16+s12+$0x0] =	vst.idx.add.s32.msk vm5, v2  }
0x1ea: {  	vm11 =	vmand vm6, vm7;
	vm10 =	vmand vm8, vm12;
	v20 =	vld [tilespmem:s22+$0xFFFFFFF0];
	vm9 =	vmand vm9, vm0  }
0x1eb: {  	v24 =	vand.u32 $0x3FF, v14;
	v25 =	vand.u32 $0x3FF, v23;
	[tilespmem:v16+s13+$0x0] =	vst.idx.add.f32.msk vm5, v9;
	vm5 =	vmand vm14, vm13;
	v9 =	vmovc v15  }
0x1ec: {  	v17 =	vld [tilespmem:s22+$0x0];
	v16 =	vand.u32 $0x3FF, v9  }
0x1ed: {  	v15 =	vshra.s32 v22, $0xA;
	vm6 =	vne.s32 v22, $0x0;
	v18 =	vand.u32 $0x3FF, v22  }
0x1ee: {  	vm7 =	veq.s32 v15, v8;
	vm0 =	vgt.s32 v15, v8;
	vm8 =	vlt.s32 v15, v13;
	v15 =	vld [tilespmem:s22+$0x10]  }
0x1ef: {  	vm0 =	vmand vm0, vm8;
	v26 =	vshra.s32 v20, $0xA;
	vm8 =	vne.s32 v20, $0x0  }
0x1f0: {  	v27 =	vnsel vm0, $0x0, v22;
	vm0 =	vgt.s32 v26, v8;
	vm12 =	vlt.s32 v26, v13;
	[tilespmem:v21+s12+$0x0] =	vst.idx.add.s32.msk vm11, v2  }
.Ltmp10:
0x1f1: {  	v27 =	vadd.f32 v27, v19;
	vm0 =	vmand vm0, vm12;
	v19 =	vshra.s32 v17, $0xA;
	[tilespmem:v21+s13+$0x0] =	vst.idx.add.f32.msk vm11, v10;
	v10 =	vmovc v22;
	(pc) =	sbr.rel @p0 .LBB2_22-.Ltmp10, $4  }
0x1f2: {  	v21 =	vnsel vm0, $0x0, v20;
	vm0 =	vgt.s32 v19, v8;
	vm11 =	vlt.s32 v19, v13;
	[tilespmem:v24+s12+$0x0] =	vst.idx.add.s32.msk vm10, v2  }
0x1f3: {  	v22 =	vadd.f32 v21, v27;
	vm0 =	vmand vm0, vm11;
	v21 =	vshra.s32 v15, $0xA;
	[tilespmem:v24+s13+$0x0] =	vst.idx.add.f32.msk vm10, v14;
	v14 =	vmovc v20  }
0x1f4: {  	v20 =	vnsel vm0, $0x0, v17;
	vm0 =	vgt.s32 v21, v8;
	vm10 =	vlt.s32 v21, v13;
	[tilespmem:v25+s12+$0x0] =	vst.idx.add.s32.msk vm9, v2  }
0x1f5: {  	s22 =	sadd.s32 $0x40, s22;
	vm12 =	veq.s32 v26, v8;
	v20 =	vadd.f32 v20, v22;
	vm10 =	vmand vm0, vm10;
	[tilespmem:v25+s13+$0x0] =	vst.idx.add.f32.msk vm9, v23  }
0x1f6: {  	_ = 	snop  }
0x1f7: {  	vm0 =	vmand vm6, vm7  }
0x1f8: {  	vm6 =	vmand vm8, vm12  }
0x1f9: {  	v61 =	vand.u32 $0x3FF, v14  }
0x1fa: {  	vm7 =	veq.s32 v19, v8;
	vm14 =	vne.s32 v17, $0x0  }
0x1fb: {  	[tilespmem:v16+s12+$0x0] =	vst.idx.add.s32.msk vm5, v2;
	vm15 =	veq.s32 v21, v8;
	vm9 =	vne.s32 v15, $0x0;
	vm7 =	vmand vm14, vm7  }
0x1fc: {  	v62 =	vand.u32 $0x3FF, v17;
	[tilespmem:v16+s13+$0x0] =	vst.idx.add.f32.msk vm5, v9;
	vm5 =	vmand vm9, vm15  }
0x1fd: {  	v63 =	vand.u32 $0x3FF, v15;
	[tilespmem:v18+s12+$0x0] =	vst.idx.add.s32.msk vm0, v2  }
0x1fe: {  	[tilespmem:v61+s12+$0x0] =	vst.idx.add.s32.msk vm6, v2  }
0x1ff: {  	[tilespmem:v18+s13+$0x0] =	vst.idx.add.f32.msk vm0, v10  }
0x200: {  	[tilespmem:v61+s13+$0x0] =	vst.idx.add.f32.msk vm6, v14  }
0x201: {  	[tilespmem:v62+s12+$0x0] =	vst.idx.add.s32.msk vm7, v2  }
0x202: {  	[tilespmem:v63+s12+$0x0] =	vst.idx.add.s32.msk vm5, v2  }
0x203: {  	v9 =	vnsel vm10, $0x0, v15;
	[tilespmem:v62+s13+$0x0] =	vst.idx.add.f32.msk vm7, v17  }
0x204: {  	s21 =	simm.s32 $0x21F0;
	s22 =	simm.s32 $0x6700;
	v9 =	vadd.f32 v9, v20;
	[tilespmem:v63+s13+$0x0] =	vst.idx.add.f32.msk vm5, v15  }
.LBB2_24:
0x205: {  	v10 =	vld [tilespmem:s22+$0x0];
	_ =	sdelay $0x4  }
0x206: {  	v14 =	vshra.s32 v10, $0xA  }
0x207: {  	vm5 =	vne.s32 v10, $0x0;
	vm0 =	veq.s32 v14, v8  }
0x208: {  	vm0 =	vmand vm5, vm0  }
0x209: {  	s21 =	sadd.s32 $0x10, s21;
	v15 =	vand.u32 $0x3FF, v10  }
0x20a: {  	p0 =	slt.u32 s21, $0x2210  }
.Ltmp11:
0x20b: {  	_ = 	snop;
	(pc) =	sbr.rel @p0 .LBB2_24-.Ltmp11, $4  }
0x20c: {  	vm6 =	vlt.s32 v14, v13;
	vm5 =	vgt.s32 v14, v8  }
0x20d: {  	vm5 =	vmand vm5, vm6  }
0x20e: {  	v14 =	vnsel vm5, $0x0, v10;
	[tilespmem:v15+s12+$0x0] =	vst.idx.add.s32.msk vm0, v2  }
0x20f: {  	s22 =	sadd.s32 $0x10, s22;
	v9 =	vadd.f32 v14, v9;
	[tilespmem:v15+s13+$0x0] =	vst.idx.add.f32.msk vm0, v10  }
0x210: {  	v10 =	vld [tilespmem:$0x6780];
	_ =	sdelay $0x1  }
0x211: {  	vm0 =	veq.s32 v8, $0x0  }
0x212: {  	vm0 =	vmand vm0, vm1  }
0x213: {  	v7 =	vnsel vm0, $0x0, v7  }
0x214: {  	v12 =	vxor.u32 $0x80000000, v12;
	v7 =	vadd.s32 v7, v10  }
0x215: {  	v11 =	vxor.u32 $0x80000000, v11;
	s21 =	simm.s32 $0x6790;
	(xrf0) =	vmax.scan.msk.u32 $0xffff, v12;
	[tilespmem:$0x6780] =	vst v7  }
0x216: {  	(xrf0) =	vmin.scan.msk.u32 $0xffff, v11;
	v11 =	vld [tilespmem:s21+$0xFFFFFFF0]  }
0x217: {  	v14 =	vld [tilespmem:s21+$0x0];
	_ =	sdelay $0x3  }
0x218: {  	v7, _, _ =	vpop (xrf0);
	(xrf0) =	vadd.scan.msk.s32 $0xffff, v11  }
0x219: {  	(v2sf) =	vpush v7, $0xF;
	v7, _, _ =	vpop (xrf0);
	(xrf0) =	vadd.scan.msk.s32 $0xffff, v14;
	_ =	sdelay $0x1  }
0x21a: {  	s23 =	simm.s32 $0x67B0  }
0x21b: {  	v17 =	vld [tilespmem:s23+$0xFFFFFFF0];
	(v2sf) =	vpush v7, $0xF  }
0x21c: {  	v16 =	vld [tilespmem:s23+$0x0]  }
0x21d: {  	v18, _, _ =	vpop (xrf0)  }
0x21e: {  	s24 =	simm.s32 $0x67D0;
	v19, _, _ =	vpop (xrf0)  }
0x21f: {  	v13 =	vld [tilespmem:s24+$0xFFFFFFF0];
	(v2sf) =	vpush v19, $0xF  }
0x220: {  	s25 =	simm.s32 $0x67F0;
	v21 =	vld [tilespmem:s24+$0x0];
	(xrf0) =	vadd.scan.msk.s32 $0xffff, v17;
	(v2sf) =	vpush v18, $0xF  }
0x221: {  	v12 =	vld [tilespmem:s25+$0xFFFFFFF0];
	(xrf0) =	vadd.scan.msk.s32 $0xffff, v16  }
0x222: {  	v25 =	vld [tilespmem:s25+$0x0];
	_ =	sdelay $0x1  }
0x223: {  	(xrf0) =	vadd.scan.msk.s32 $0xffff, v13  }
0x224: {  	(xrf0) =	vadd.scan.msk.s32 $0xffff, v21  }
0x225: {  	v22, _, _ =	vpop (xrf0);
	(xrf0) =	vadd.scan.msk.s32 $0xffff, v12  }
0x226: {  	v23, _, _ =	vpop (xrf0);
	(xrf0) =	vadd.scan.msk.s32 $0xffff, v25  }
0x227: {  	(v2sf) =	vpush v23, $0xF  }
0x228: {  	s22 =	spop (v2sf)  }
0x229: {  	s23 =	spop (v2sf);
	v20, _, _ =	vpop (xrf0);
	(v2sf) =	vpush v22, $0xF  }
0x22a: {  	s26 =	simm.s32 $0x6810;
	s21 =	sxor.u32 $0x80000000, s23;
	v27, _, _ =	vpop (xrf0)  }
0x22b: {  	v10 =	vld [tilespmem:s26+$0xFFFFFFF0];
	v26 =	vsub.s32 v19, v14;
	v19 =	vsub.s32 v23, v16;
	s23 =	smov.u32 s20;
	p0 =	slt.s32 s21, s20;
	(v2sf) =	vpush v27, $0xF;
	v16, _, _ =	vpop (xrf0)  }
0x22c: {  	s28 =	simm.s32 $0x0;
	v11 =	vsub.s32 v18, v11;
	v14 =	vld [tilespmem:s26+$0x0];
	v18 =	vsub.s32 v27, v21;
	s23 =	smov.u32 @p0 s21;
	(v2sf) =	vpush v20, $0xF;
	v27, _, _ =	vpop (xrf0)  }
0x22d: {  	s22 =	sxor.u32 $0x80000000, s22;
	s20 =	ssub.s32 s20, s23;
	s29 =	spop (v2sf);
	(v2sf) =	vpush v27, $0xF  }
0x22e: {  	s22 =	ssub.s32 s23, s22;
	s19 =	ssub.s32 s20, s19;
	s31 =	spop (v2sf);
	(v2sf) =	vpush v16, $0xF  }
0x22f: {  	v24 =	vimm.s32 $0x7FFFFFFF;
	v23 =	vadd.s32 s28, v11;
	s19 =	sadd.s32 s22, s19  }
0x230: {  	s30 =	simm.s32 $0x6830;
	v17 =	vsub.s32 v22, v17;
	(xrf0) =	vadd.scan.msk.s32 $0xffff, v10;
	vm5 =	vlt.s32 v24, v23;
	v7 =	vmov s19;
	s19 =	sadd.s32 $0x0, s31  }
0x231: {  	v11 =	vld [tilespmem:s30+$0xFFFFFFF0];
	v21 =	vsel vm5, v24, v23;
	(xrf0) =	vadd.scan.msk.s32 $0xffff, v14;
	vm0 =	vle.s32 v23, v7;
	v28 =	vadd.s32 s19, v26;
	s19 =	sadd.s32 s19, s29  }
0x232: {  	v26 =	vsel vm0, v24, v21;
	v24 =	vadd.s32 s19, v17;
	v17 =	vld [tilespmem:s30+$0x0];
	_ =	sdelay $0x1  }
0x233: {  	v15 =	vimm.s32 $0x0  }
0x234: {  	v22 =	vsub.s32 v27, v25;
	vm5 =	vle.s32 v28, v7;
	vm6 =	vlt.s32 v26, v28  }
0x235: {  	s23 =	simm.s32 $0x6850;
	(xrf0) =	vadd.scan.msk.s32 $0xffff, v11;
	s22 =	simm.s32 $0xA0;
	v25 =	vmpcnt.ones.xlane vm0;
	v21, _, _ =	vpop (xrf0);
	v23 =	vmpcnt.ones.xlane vm5;
	s21 =	spop (v2sf);
	v27 =	vsel vm6, v26, v28  }
.LBB2_26:
0x236: {  	s22 =	sadd.s32 $0x20, s22;
	(xrf0) =	vadd.scan.msk.s32 $0xffff, v17;
	v28, _, _ =	vpop (xrf0);
	v29 =	vsub.s32 v20, v13;
	vm6 =	vle.s32 v24, v7;
	v26 =	vsel vm5, v26, v27  }
0x237: {  	s24 =	spop (v2sf);
	v13 =	vmovc v12;
	v12 =	vmovc v10;
	v10 =	vmov v11;
	v11 =	vld [tilespmem:s23+$0xFFFFFFF0];
	v27 =	vmov v14;
	v14 =	vmov v17;
	p0 =	slt.u32 s22, $0x3E0  }
.Ltmp12:
0x238: {  	v20 =	vmovc v16;
	v16 =	vmovc v21;
	v17 =	vld [tilespmem:s23+$0x0];
	(v2sf) =	vpush v28, $0xF;
	vm0 =	vlt.s32 v26, v24;
	s19 =	sadd.s32 s19, s24;
	v15 =	vadd.s32 v15, v25;
	(pc) =	sbr.rel @p0 .LBB2_26-.Ltmp12, $4  }
0x239: {  	v21 =	vsel vm0, v26, v24;
	v30 =	vadd.s32 s19, v19;
	s19 =	sadd.s32 s19, s21;
	v15 =	vadd.s32 v23, v15;
	v19 =	vmovc v18;
	v18 =	vmovc v22  }
0x23a: {  	(v2sf) =	vpush v16, $0xF;
	v26 =	vsel vm6, v26, v21;
	vm5 =	vle.s32 v30, v7  }
0x23b: {  	v24 =	vadd.s32 s19, v29;
	s21 =	spop (v2sf);
	v23 =	vmpcnt.ones.xlane vm5;
	vm0 =	vlt.s32 v26, v30  }
0x23c: {  	s23 =	sadd.s32 $0x20, s23;
	v25 =	vmpcnt.ones.xlane vm6;
	v22 =	vsub.s32 v28, v27;
	(xrf0) =	vadd.scan.msk.s32 $0xffff, v11;
	v21, _, _ =	vpop (xrf0);
	v27 =	vsel vm0, v26, v30  }
0x23d: {  	(xrf0) =	vadd.scan.msk.s32 $0xffff, v17;
	v26 =	vsel vm5, v26, v27  }
0x23e: {  	s22 =	spop (v2sf);
	vm0 =	vlt.s32 v26, v24  }
0x23f: {  	v53, _, _ =	vpop (xrf0);
	vm5 =	vle.s32 v24, v7;
	s19 =	sadd.s32 s19, s22;
	v54 =	vsel vm0, v26, v24  }
0x240: {  	(v2sf) =	vpush v53, $0xF;
	v19 =	vadd.s32 s19, v19;
	v24 =	vsel vm5, v26, v54  }
0x241: {  	(v2sf) =	vpush v21, $0xF;
	vm0 =	vlt.s32 v24, v19  }
0x242: {  	v13 =	vsub.s32 v20, v13;
	s19 =	sadd.s32 s19, s21;
	vm6 =	vle.s32 v19, v7;
	v55, _, _ =	vpop (xrf0);
	v19 =	vsel vm0, v24, v19  }
0x243: {  	s30 =	spop (v2sf);
	v13 =	vadd.s32 s19, v13;
	v56, _, _ =	vpop (xrf0);
	v19 =	vsel vm6, v24, v19  }
0x244: {  	s31 =	spop (v2sf);
	(v2sf) =	vpush v56, $0xF;
	vm0 =	vlt.s32 v19, v13  }
0x245: {  	s19 =	sadd.s32 s19, s31;
	v24 =	vsel vm0, v19, v13;
	vm0 =	vle.s32 v13, v7;
	(v2sf) =	vpush v55, $0xF  }
0x246: {  	v13 =	vadd.s32 v15, v25;
	v15 =	vadd.s32 s19, v18;
	v57 =	vsel vm0, v19, v24  }
0x247: {  	v12 =	vsub.s32 v16, v12;
	v58 =	vmpcnt.ones.xlane vm5;
	vm5 =	vlt.s32 v57, v15  }
0x248: {  	s19 =	sadd.s32 s19, s30;
	v13 =	vadd.s32 v23, v13;
	v59 =	vsel vm5, v57, v15;
	vm5 =	vle.s32 v15, v7  }
0x249: {  	v12 =	vadd.s32 s19, v12;
	s23 =	spop (v2sf);
	v15 =	vmpcnt.ones.xlane vm6;
	v16 =	vsel vm5, v57, v59  }
0x24a: {  	v13 =	vadd.s32 v13, v58;
	s24 =	spop (v2sf);
	vm6 =	vlt.s32 v16, v12  }
0x24b: {  	v13 =	vadd.s32 v15, v13;
	s19 =	sadd.s32 s19, s24;
	v15 =	vsel vm6, v16, v12;
	vm6 =	vle.s32 v12, v7  }
0x24c: {  	v10 =	vsub.s32 v21, v10;
	v60 =	vadd.s32 s19, v22;
	v15 =	vsel vm6, v16, v15  }
0x24d: {  	v14 =	vsub.s32 v53, v14;
	v62 =	vmpcnt.ones.xlane vm0;
	vm0 =	vlt.s32 v15, v60  }
0x24e: {  	v12 =	vmpcnt.ones.xlane vm5;
	s19 =	sadd.s32 s19, s23;
	vm5 =	vle.s32 v60, v7;
	v18 =	vsel vm0, v15, v60  }
0x24f: {  	v13 =	vadd.s32 v13, v62;
	v10 =	vadd.s32 s19, v10;
	s25 =	spop (v2sf);
	v15 =	vsel vm5, v15, v18  }
0x250: {  	v12 =	vadd.s32 v12, v13;
	v13 =	vmpcnt.ones.xlane vm6;
	s26 =	spop (v2sf);
	vm0 =	vlt.s32 v15, v10  }
0x251: {  	v63 =	vmpcnt.ones.xlane vm5;
	vm5 =	vle.s32 v10, v7;
	s19 =	sadd.s32 s19, s26;
	v10 =	vsel vm0, v15, v10  }
0x252: {  	v12 =	vadd.s32 v12, v13;
	v13 =	vadd.s32 s19, v14;
	v10 =	vsel vm5, v15, v10  }
0x253: {  	v11 =	vsub.s32 v55, v11;
	v61 =	vsub.s32 v56, v17;
	vm0 =	vlt.s32 v10, v13  }
0x254: {  	s19 =	sadd.s32 s19, s25;
	v12 =	vadd.s32 v63, v12;
	vm6 =	vle.s32 v13, v7;
	s28 =	spop (v2sf);
	v13 =	vsel vm0, v10, v13  }
0x255: {  	v11 =	vadd.s32 s19, v11;
	v15 =	vmpcnt.ones.xlane vm5;
	s29 =	spop (v2sf);
	v10 =	vsel vm6, v10, v13  }
0x256: {  	v14 =	vmpcnt.ones.xlane vm6;
	vm0 =	vle.s32 v11, v7;
	s19 =	sadd.s32 s19, s29;
	vm5 =	vlt.s32 v10, v11  }
0x257: {  	v12 =	vadd.s32 v12, v15;
	v13 =	vadd.s32 s19, v61;
	v11 =	vsel vm5, v10, v11  }
0x258: {  	s30 =	simm.s32 $0x6F90;
	vm6 =	vle.s32 v13, v7;
	v7 =	vmpcnt.ones.xlane vm0;
	v10 =	vsel vm0, v10, v11  }
0x259: {  	v15 =	vld [tilespmem:s30+$0xFFFFFFF0];
	v12 =	vadd.s32 v14, v12;
	v14 =	vmpcnt.ones.xlane vm6;
	vm0 =	vlt.s32 v10, v13  }
0x25a: {  	v7 =	vadd.s32 v12, v7;
	v11 =	vsel vm0, v10, v13  }
0x25b: {  	s23 =	simm.s32 $0x0;
	v7 =	vadd.s32 v14, v7;
	v10 =	vsel vm6, v10, v11;
	v11 =	vld [tilespmem:s30+$0x0]  }
0x25c: {  	v12 =	vor.u32 s23, v3;
	v7 =	vadd.s32 $0xFFFFFFFF, v7  }
0x25d: {  	s31 =	simm.s32 $0x10;
	vm0 =	vgt.s32 v12, v7  }
0x25e: {  	s22 =	simm.s32 $0x6FB0;
	s21 =	simm.s32 $0x20;
	s19 =	sadd.s32 s19, s28;
	v14 =	vor.u32 s31, v3;
	v12 =	vimm.f32 $0.0e+00;
	v13 =	vnsel vm0, $0x0, v15  }
.LBB2_28:
0x25f: {  	v15 =	vld [tilespmem:s22+$0xFFFFFFF0];
	p0 =	slt.u32 s21, $0x3E0;
	v12 =	vadd.f32 v13, v12;
	vm0 =	vgt.s32 v14, v7;
	s23 =	smov.u32 s21;
	s21 =	sadd.s32 $0x20, s21  }
.Ltmp13:
0x260: {  	v13 =	vnsel vm0, $0x0, v11;
	(pc) =	sbr.rel @p0 .LBB2_28-.Ltmp13, $4  }
0x261: {  	v11 =	vld [tilespmem:s22+$0x0];
	v12 =	vadd.f32 v13, v12  }
0x262: {  	v13 =	vor.u32 s23, v3  }
0x263: {  	s23 =	sadd.s32 $0x10, s23;
	vm0 =	vgt.s32 v13, v7  }
0x264: {  	s22 =	sadd.s32 $0x20, s22;
	v14 =	vor.u32 s23, v3;
	v13 =	vnsel vm0, $0x0, v15  }
0x265: {  	v10 =	vxor.u32 $0x80000000, v10  }
0x266: {  	v12 =	vadd.f32 v13, v12;
	vm0 =	vgt.s32 v14, v7;
	(xrf0) =	vmin.scan.msk.u32 $0xffff, v10  }
0x267: {  	v58 =	vnsel vm0, $0x0, v11  }
0x268: {  	v10 =	vadd.f32 v58, v12  }
0x269: {  	(xrf2) =	vadd.scan.msk.f32 $0xffff, v9  }
0x26a: {  	(xrf2) =	vadd.scan.msk.f32 $0xffff, v10;
	_ =	sdelay $0x1  }
0x26b: {  	(xrf2) =	vadd.scan.msk.f32 $0xffff, v4;
	v59, _, _ =	vpop (xrf0)  }
0x26c: {  	(v2sf) =	vpush v59, $0xF;
	_ =	sdelay $0x5  }
0x26d: {  	v4, _, _ =	vpop (xrf2)  }
0x26e: {  	(v2sf) =	vpush v4, $0xF;
	v60, _, _ =	vpop (xrf2)  }
0x26f: {  	(v2sf) =	vpush v60, $0xF  }
0x270: {  	v4, _, _ =	vpop (xrf2)  }
0x271: {  	(v2sf) =	vpush v4, $0xF;
	_ =	sdelay $0x4  }
0x272: {  	s21 =	spop (v2sf)  }
0x273: {  	s21 =	sxor.u32 $0x80000000, s21  }
0x274: {  	s18 =	sadd.s32 s18, s20;
	p0 =	slt.s32 s21, s19  }
0x275: {  	s18 =	sadd.s32 s19, s18;
	s19 =	smov.u32 @p0 s21  }
0x276: {  	v4 =	vshll.u32 v8, $0xA;
	s18 =	ssub.s32 s18, s19  }
0x277: {  	v4 =	vor.u32 v4, v7;
	s18 =	scvt.s32.f32 s18  }
0x278: {  	v6 =	vcvt.s32.f32 v6;
	vm0 =	vlt.s32 v4, $0x7F7FFFFF  }
0x279: {  	v4 =	vnsel vm0, $0x7F7FFFFF, v4;
	s28 =	spop (v2sf);
	v61 =	vmov s18  }
0x27a: {  	vm0 =	vgt.f32 v4, $0.0e+00;
	s29 =	spop (v2sf);
	v6 =	vsub.f32 v6, v61  }
0x27b: {  	v62 =	vsel vm0, $0x3F800000, v1;
	s19 =	sadd.f32 s29, s28  }
0x27c: {  	s17 =	sadd.f32 s18, s17;
	s30 =	spop (v2sf);
	v7 =	vmul.f32 v6, v62  }
0x27d: {  	s31 =	sadd.f32 s19, s30;
	v4 =	vmul.f32 v4, v6  }
0x27e: {  	v63 =	vadd.f32 s17, v7  }
0x27f: {  	v4 =	vadd.f32 s31, v4  }
0x280: {  	v5 =	vbroadcast v5, $0xF;
	v6 =	vsel vm2, $0x0, v63  }
0x281: {  	v4 =	vsel vm3, v6, v4  }
0x282: {  	s16 =	sadd.s32 $0x1, s16;
	vm0 =	veq.s32 v3, $0x0;
	v4 =	vsel vm4, v4, v5  }
0x283: {  	p0 =	sne.s32 s16, s6;
	v4 =	vsel vm0, $0x0, v4  }
.Ltmp14:
0x284: {  	[tilespmem:$0x7380] =	vst v4;
	(pc) =	sbr.rel @p0 .LBB2_1-.Ltmp14, $4  }
0x285: {  	[hbm4b:s5+s2] =	stream.linear.scatter [tilespmem:s14], [sflag:$0x3], $0x80, $0x38;
	[tilespmem:$0x7400] =	vst v63  }
0x286: {  	_ =	swait.ge [sflag:s15], $0x80  }
0x287: {  	[sflag:s15] =	ssyncset.done $0x0  }
0x288: {  	[sflag:s15] =	ssyncadd.s32 $0xFFFFFF80  }
0x289: {  	_ =	sfence.sel $0x180000  }
0x28a: {  	[bflag:$0x0] =	sbarrier.arrive $0xFFFF  }
0x28b: {  	p0 =	sne.s32 s1, $0x0;
	_ =	strace $0x90000047  }
0x28c: {  	s0 =	sadd.s32 @!p0 $0x100000, s0;
	[bflag:$0x2] =	sbarrier.arrive $0xFFFF  }
0x28d: {  	[sflag:s0] =	ssyncadd.tile.s32 @!p0 $0x1;
	_ =	shalt  }
.Lfunc_end2:
_tile_overlayer_lowered:
.L_overlay_start_2:
0x28e: {  	(tag) =	ssettag $0x2  }
0x28f: {  	s0 =	rddreg [dreg:$0x0];
	s2 =	stileid.u32  }
0x290: {  	s1 =	rddreg [dreg:$0x1];
	p0 =	sne.s32 s2, $0x0  }
0x291: {  	s3 =	rddreg [dreg:$0x2];
	[bflag:$0x3] =	sbarrier.arrive $0xFFFF;
	s2 =	simm.s32 @!p0 $0x1C03  }
0x292: {  	[timem:s3], [sflag:s2] =	dma.local @!p0 [hbm:s0], s1  }
0x293: {  	s0 =	simm.s32 @!p0 $0x3  }
0x294: {  	_ =	swait.ge @!p0 [sflag:s0], s1  }
0x295: {  	s1 =	ssub.s32 @!p0 $0x0, s1;
	[sflag:s0] =	ssyncset.done @!p0 $0x0  }
0x296: {  	[sflag:s0] =	ssyncadd.s32 @!p0 s1  }
0x297: {  	[bflag:$0x3] =	sbarrier.arrive $0xFFFF  }
0x298: {  	_ =	shalt  }

</sc_bundles>
